<compile_context>
chip_gen: v7x
topology: tpu7x:2x2x1
jax: 0.10.2.dev20260603
libtpu: 0.0.44.dev20260713+nightly
codegen_flags: <defaults>
</compile_context>

<pallas_src>
import dataclasses

import jax
import jax.numpy as jnp
from jax import lax
from jax.experimental import pallas as pl
from jax.experimental.pallas import tpu as pltpu
from jax.experimental.pallas import tpu_sc as plsc

N_NODES = 10000
D = 128
N_EDGES = 320000

NC = 2
NS = 16
NW = NC * NS
CH = 64
NCHUNK = N_EDGES // CH
NCHUNKP = 5120
NPAD = NCHUNKP * CH - N_EDGES

SPAN = 624
TAIL_BASE = NS * SPAN
TAIL = N_NODES - TAIL_BASE

NCPT_DEG = NCHUNKP // NW

NCPT0 = 160
NCPT1 = 160
CORE1_BASE = NS * NCPT0
ZROWS = 128
GRP = 16
NGRP0 = NCPT0 // GRP
NGRP1 = NCPT1 // GRP
SLOTS = 4
GITER = GRP // SLOTS

_mesh = plsc.VectorSubcoreMesh(core_axis_name="c", subcore_axis_name="s")

_sc_params = pltpu.CompilerParams()
if "needs_layout_passes" in pltpu.CompilerParams.__dataclass_fields__:
    _sc_params = dataclasses.replace(_sc_params, needs_layout_passes=False)


def _span_copy(sid, src, dst):
    base = sid * SPAN
    pltpu.sync_copy(src.at[pl.ds(base, SPAN)], dst.at[pl.ds(base, SPAN)])

    @pl.when(sid == NS - 1)
    def _():
        pltpu.sync_copy(src.at[pl.ds(TAIL_BASE, TAIL)],
                        dst.at[pl.ds(TAIL_BASE, TAIL)])


def _deg_hist_body(ei_hbm, out_hbm, idx_v, deg_v):
    cid = lax.axis_index("c")
    sid = lax.axis_index("s")
    wid = sid * NC + cid
    start = wid * NCPT_DEG

    @pl.loop(0, N_NODES // 16)
    def _(r):
        deg_v[pl.ds(r * 16, 16)] = jnp.zeros((16,), jnp.float32)

    pltpu.sync_copy(ei_hbm.at[1, pl.ds(start, NCPT_DEG)], idx_v)

    ones = jnp.ones((16,), jnp.float32)
    nloc = jnp.clip(NCHUNK - start, 0, NCPT_DEG)

    @pl.loop(0, nloc)
    def _(c):
        for j in range(CH // 16):
            idx16 = idx_v[c, pl.ds(j * 16, 16)]
            plsc.addupdate_scatter(deg_v, [idx16], ones)

    pltpu.sync_copy(deg_v, out_hbm.at[pl.ds(wid * N_NODES, N_NODES)])


def _agg_body(y_hbm, ei_hbm, zeros_hbm, out_hbm,
              rowi_v, coli_v, buf0, buf1, buf2, buf3,
              g0, g1, g2, g3, s0, s1, s2, s3, acc_sh):
    cid = lax.axis_index("c")
    sid = lax.axis_index("s")
    bufs = (buf0, buf1, buf2, buf3)
    gsems = (g0, g1, g2, g3)
    ssems = (s0, s1, s2, s3)

    _span_copy(sid, zeros_hbm, acc_sh)
    plsc.subcore_barrier()

    def load_idx(gs):
        pltpu.sync_copy(ei_hbm.at[0, pl.ds(gs, GRP)], rowi_v)
        pltpu.sync_copy(ei_hbm.at[1, pl.ds(gs, GRP)], coli_v)

    def g_start(b, j):
        pltpu.make_async_copy(y_hbm.at[rowi_v.at[j]], bufs[b],
                              gsems[b]).start()

    def g_wait(b):
        pltpu.make_async_copy(y_hbm.at[rowi_v.at[0]], bufs[b],
                              gsems[b]).wait()

    def s_start(b, j):
        pltpu.make_async_copy(bufs[b], acc_sh.at[coli_v.at[j]],
                              ssems[b]).start(add=True)

    def s_wait(b):
        pltpu.make_async_copy(bufs[b], acc_sh.at[coli_v.at[0]],
                              ssems[b]).wait()

    start = jnp.where(cid == 0, sid * NCPT0, CORE1_BASE + sid * NCPT1)
    ngroups = jnp.where(cid == 0, NGRP0, NGRP1)

    @pl.loop(0, ngroups)
    def _(g):
        load_idx(start + g * GRP)
        for b in range(SLOTS):
            g_start(b, b)

        @pl.loop(0, GITER)
        def _(i):
            base = i * SLOTS
            for b in range(SLOTS):
                g_wait(b)
                s_start(b, base + b)
            for b in range(SLOTS):
                s_wait(b)
                nxt = base + SLOTS + b

                @pl.when(nxt < GRP)
                def _():
                    g_start(b, nxt)

    plsc.subcore_barrier()
    _span_copy(sid, acc_sh, out_hbm.at[cid])


def _dis_body(parts_ref, dis_ref):
    deg = jnp.sum(parts_ref[...], axis=0, keepdims=True) + 1.0
    dis_ref[...] = jnp.transpose(lax.rsqrt(deg), (1, 0))


def _linear_body(x_ref, w_ref, dis_ref, y_ref):
    y_ref[...] = dis_ref[...] * jnp.dot(x_ref[...], w_ref[...],
                                        preferred_element_type=jnp.float32)


def _epilogue_body(agg_ref, x_ref, b_ref, dis_ref, y_ref, out_ref):
    s = agg_ref[0] + agg_ref[1] + y_ref[...]
    out_ref[...] = jnp.maximum(dis_ref[...] * s + b_ref[...], 0.0) + x_ref[...]


def kernel(x, edge_index, W, b):
    ei32 = edge_index.astype(jnp.int32)
    ar = jnp.arange(NPAD, dtype=jnp.int32)
    pad = jnp.stack([
        N_NODES + ar % ZROWS,
        ar % N_NODES,
    ])
    ei = jnp.concatenate([ei32, pad], axis=1).reshape(2, NCHUNKP, CH)
    zeros128 = jnp.zeros((N_NODES, D), jnp.float32)

    deg_hist = pl.kernel(
        _deg_hist_body,
        out_type=jax.ShapeDtypeStruct((NW * N_NODES,), jnp.float32),
        mesh=_mesh,
        compiler_params=_sc_params,
        scratch_types=[
            pltpu.VMEM((NCPT_DEG, CH), jnp.int32),
            pltpu.VMEM((N_NODES,), jnp.float32),
        ],
    )
    deg_parts = deg_hist(ei).reshape(NW, N_NODES)

    dis = pl.pallas_call(
        _dis_body,
        in_specs=[pl.BlockSpec((NW, N_NODES), lambda: (0, 0))],
        out_specs=pl.BlockSpec((N_NODES, 1), lambda: (0, 0)),
        out_shape=jax.ShapeDtypeStruct((N_NODES, 1), jnp.float32),
    )(deg_parts)

    R = 1000
    y = pl.pallas_call(
        _linear_body,
        grid=(N_NODES // R,),
        in_specs=[
            pl.BlockSpec((R, D), lambda i: (i, 0)),
            pl.BlockSpec((D, D), lambda i: (0, 0)),
            pl.BlockSpec((R, 1), lambda i: (i, 0)),
        ],
        out_specs=pl.BlockSpec((R, D), lambda i: (i, 0)),
        out_shape=jax.ShapeDtypeStruct((N_NODES, D), jnp.float32),
    )(x, W, dis)

    agg_call = pl.kernel(
        _agg_body,
        out_type=jax.ShapeDtypeStruct((NC, N_NODES, D), jnp.float32),
        mesh=_mesh,
        scratch_types=[
            pltpu.VMEM((GRP, CH), jnp.int32),
            pltpu.VMEM((GRP, CH), jnp.int32),
            pltpu.VMEM((CH, D), jnp.float32),
            pltpu.VMEM((CH, D), jnp.float32),
            pltpu.VMEM((CH, D), jnp.float32),
            pltpu.VMEM((CH, D), jnp.float32),
            pltpu.SemaphoreType.DMA,
            pltpu.SemaphoreType.DMA,
            pltpu.SemaphoreType.DMA,
            pltpu.SemaphoreType.DMA,
            pltpu.SemaphoreType.DMA,
            pltpu.SemaphoreType.DMA,
            pltpu.SemaphoreType.DMA,
            pltpu.SemaphoreType.DMA,
            pltpu.VMEM_SHARED((N_NODES, D), jnp.float32),
        ],
    )
    y_pad = jnp.concatenate([y, jnp.zeros((ZROWS, D), jnp.float32)], axis=0)
    agg = agg_call(y_pad, ei, zeros128)

    out = pl.pallas_call(
        _epilogue_body,
        grid=(N_NODES // R,),
        in_specs=[
            pl.BlockSpec((NC, R, D), lambda i: (0, i, 0)),
            pl.BlockSpec((R, D), lambda i: (i, 0)),
            pl.BlockSpec((1, D), lambda i: (0, 0)),
            pl.BlockSpec((R, 1), lambda i: (i, 0)),
            pl.BlockSpec((R, D), lambda i: (i, 0)),
        ],
        out_specs=pl.BlockSpec((R, D), lambda i: (i, 0)),
        out_shape=jax.ShapeDtypeStruct((N_NODES, D), jnp.float32),
    )(agg, x, b.reshape(1, D), dis, y)

    return (out, edge_index)

# --- scband reference (transcript-rebuilt; emitter-appended) ---
"""Pipeline reference for scband-gcnblock-66812511257309 (READ-ONLY COPY).

The authoritative reference and input builder live on the scoring server;
editing this copy changes nothing except your own understanding.
"""

import jax, jax.numpy as jnp
import numpy as np

N_NODES = 10000
N_EDGES = 320000
D_IN = 128
D_OUT = 128


def setup_inputs(seed: int = 0) -> dict:
    key = jax.random.key(seed)
    k1, k2, k3, k4 = jax.random.split(key, 4)
    x = jax.random.normal(k1, (N_NODES, D_IN), dtype=jnp.float32)
    edge_index = jax.random.randint(k2, (2, N_EDGES), 0, N_NODES, dtype=jnp.int64)
    # GCNConv linear weight (glorot) and bias (zeros), PyG default init
    limit = float(np.sqrt(6.0 / (D_IN + D_OUT)))
    W = jax.random.uniform(k3, (D_IN, D_OUT), dtype=jnp.float32, minval=-limit, maxval=limit)
    b = jnp.zeros((D_OUT,), dtype=jnp.float32)
    return {"x": x, "edge_index": edge_index, "W": W, "b": b}


def _gcn_conv(x, edge_index, W, b):
    N = x.shape[0]
    # add self-loops (PyG gcn_norm default add_self_loops=True)
    loop = jnp.arange(N, dtype=edge_index.dtype)
    row = jnp.concatenate([edge_index[0], loop])
    col = jnp.concatenate([edge_index[1], loop])
    # symmetric normalization: deg computed over dst (col) with unit edge weights
    ones = jnp.ones(row.shape[0], dtype=x.dtype)
    deg = jax.ops.segment_sum(ones, col, num_segments=N)
    deg_inv_sqrt = jnp.where(deg > 0, jax.lax.rsqrt(jnp.maximum(deg, 1e-12)), 0.0)
    norm = deg_inv_sqrt[row] * deg_inv_sqrt[col]
    # linear transform first, then propagate (sum aggregation at dst)
    x_lin = x @ W
    msgs = norm[:, None] * jnp.take(x_lin, row, axis=0)
    out = jax.ops.segment_sum(msgs, col, num_segments=N)
    return out + b


def reference(x, edge_index, W, b):
    identity = x
    out = _gcn_conv(x, edge_index, W, b)
    out = jax.nn.relu(out)
    # dropout=None -> no dropout; residual=True
    out = out + identity
    return (out, edge_index)

if __name__ == "__main__":
    import jax
    _d = setup_inputs()
    print(jax.jit(kernel)(*tuple(_d.values())))

</pallas_src>

<mosaic_0001>
#map = affine_map<(d0, d1) -> (0, 0, 0)>
#map1 = affine_map<(d0, d1) -> (0)>
module attributes {stable_mosaic.version = 14 : i64} {
  func.func @_deg_hist_body(%arg0: i32, %arg1: i32, %arg2: memref<2x5120x64xi32, #tpu.memory_space<hbm>>, %arg3: memref<320000xf32, #tpu.memory_space<hbm>>, %arg4: memref<160x64xi32, #tpu.memory_space<vmem>>, %arg5: memref<10000xf32, #tpu.memory_space<vmem>>) attributes {dimension_semantics = [#tpu.dimension_semantics<core_parallel>, #tpu.dimension_semantics<subcore_parallel>], iteration_bounds = array<i64: 2, 16>, scalar_prefetch = 0 : i64, scratch_operands = 2 : i64, tpu.core_type = #tpu.core_type<sc_vector_subcore>, window_params = [{transform_indices = #map}, {transform_indices = #map1}]} {
    %mul3A = arith.constant 2 : i32
    %mul3A_0 = arith.muli %arg1, %mul3A : i32
    %add3A = arith.addi %mul3A_0, %arg0 : i32
    %mul3A_1 = arith.constant 160 : i32
    %mul3A_2 = arith.muli %add3A, %mul3A_1 : i32
    %scan3A = arith.constant 0 : i32
    %scan3A_3 = arith.constant 625 : i32
    %scan3A_4 = arith.addi %scan3A, %scan3A_3 : i32
    %scan3A_5 = arith.constant 1 : i32
    scf.for %scan3A_29 = %scan3A to %scan3A_4 step %scan3A_5  : i32 {
      %mul3A_30 = arith.constant 1 : i32
      %mul3A_31 = arith.muli %scan3A_29, %mul3A_30 : i32
      %add3A_32 = arith.constant 0 : i32
      %add3A_33 = arith.addi %add3A_32, %mul3A_31 : i32
      %broadcast_in_dim3A_34 = arith.constant 0.000000e+00 : f32
      %broadcast_in_dim3A_35 = vector.broadcast %broadcast_in_dim3A_34 : f32 to vector<16xf32>
      %mul3A_36 = arith.constant 16 : i32
      %mul3A_37 = arith.muli %add3A_33, %mul3A_36 : i32
      %swap3A = arith.index_cast %mul3A_37 : i32 to index
      %swap3A_38 = tpu.vector_load %arg5[%swap3A] {strides = array<i32>} : memref<10000xf32, #tpu.memory_space<vmem>>, vector<16xf32>,
      tpu.vector_store %arg5[%swap3A], %broadcast_in_dim3A_35 {strides = array<i32>} : memref<10000xf32, #tpu.memory_space<vmem>>, vector<16xf32>,
    }
    %scan3A_6 = arith.constant 625 : i32
    %run_scoped3A = arith.constant 1 : i32
    "tpu.region"() ({
      %run_scoped3A_29 = tpu.sem_alloc : memref<!tpu.dma_semaphore, #tpu.memory_space<semaphore_mem>>
      %dma_start3A = arith.constant 0 : i32
      %dma_start3A_30 = tpu.memref_slice %arg2[%run_scoped3A, %mul3A_2, %dma_start3A] : memref<2x5120x64xi32, #tpu.memory_space<hbm>> -> memref<1x160x64xi32, #tpu.memory_space<hbm>>
      %dma_start3A_31 = tpu.memref_squeeze %dma_start3A_30 : memref<1x160x64xi32, #tpu.memory_space<hbm>> -> memref<160x64xi32, #tpu.memory_space<hbm>>
      %dma_start3A_32 = arith.constant 0 : i32
      %dma_start3A_33 = tpu.memref_slice %arg2[%run_scoped3A, %mul3A_2, %dma_start3A_32] : memref<2x5120x64xi32, #tpu.memory_space<hbm>> -> memref<1x160x64xi32, #tpu.memory_space<hbm>>
      %dma_start3A_34 = tpu.memref_squeeze %dma_start3A_33 : memref<1x160x64xi32, #tpu.memory_space<hbm>> -> memref<160x64xi32, #tpu.memory_space<hbm>>
      tpu.enqueue_dma source(%dma_start3A_34 : memref<160x64xi32, #tpu.memory_space<hbm>>) target(%arg4 : memref<160x64xi32, #tpu.memory_space<vmem>>) target_semaphore(%run_scoped3A_29 : memref<!tpu.dma_semaphore, #tpu.memory_space<semaphore_mem>>)
      %dma_wait3A = arith.constant 0 : i32
      %dma_wait3A_35 = tpu.memref_slice %arg2[%run_scoped3A, %mul3A_2, %dma_wait3A] : memref<2x5120x64xi32, #tpu.memory_space<hbm>> -> memref<1x160x64xi32, #tpu.memory_space<hbm>>
      %dma_wait3A_36 = tpu.memref_squeeze %dma_wait3A_35 : memref<1x160x64xi32, #tpu.memory_space<hbm>> -> memref<160x64xi32, #tpu.memory_space<hbm>>
      %dma_wait3A_37 = arith.constant 0 : i32
      %dma_wait3A_38 = tpu.memref_slice %arg2[%run_scoped3A, %mul3A_2, %dma_wait3A_37] : memref<2x5120x64xi32, #tpu.memory_space<hbm>> -> memref<1x160x64xi32, #tpu.memory_space<hbm>>
      %dma_wait3A_39 = tpu.memref_squeeze %dma_wait3A_38 : memref<1x160x64xi32, #tpu.memory_space<hbm>> -> memref<160x64xi32, #tpu.memory_space<hbm>>
      tpu.wait_dma2 semaphore(%run_scoped3A_29 : memref<!tpu.dma_semaphore, #tpu.memory_space<semaphore_mem>>) src(%dma_wait3A_39 : memref<160x64xi32, #tpu.memory_space<hbm>>) dst(%arg4 : memref<160x64xi32, #tpu.memory_space<vmem>>)
      tpu.yield
    }) : () -> ()
    %broadcast_in_dim3A = arith.constant 1.000000e+00 : f32
    %broadcast_in_dim3A_7 = vector.broadcast %broadcast_in_dim3A : f32 to vector<16xf32>
    %sub3A = arith.constant 5000 : i32
    %sub3A_8 = arith.subi %sub3A, %mul3A_2 : i32
    %jit3A = arith.constant 0 : i32
    %jit3A_9 = arith.constant 160 : i32
    %max3A = arith.maxsi %jit3A, %sub3A_8 : i32
    %min3A = arith.minsi %jit3A_9, %max3A : i32
    %sub3A_10 = arith.constant 0 : i32
    %sub3A_11 = arith.subi %min3A, %sub3A_10 : i32
    %sub3A_12 = arith.constant 1 : i32
    %sub3A_13 = arith.constant 1 : i32
    %sub3A_14 = arith.subi %sub3A_12, %sub3A_13 : i32
    %add3A_15 = arith.addi %sub3A_11, %sub3A_14 : i32
    %div3A = arith.constant 1 : i32
    %div3A_16 = arith.divsi %add3A_15, %div3A : i32
    %while3A = arith.constant 1 : i32
    %while3A_17 = arith.constant 0 : i32
    %while3A_18 = arith.constant 0 : i32
    %while3A_19 = arith.subi %div3A_16, %while3A_18 : i32
    %while3A_20 = arith.addi %while3A_18, %while3A_19 : i32
    %while3A_21 = arith.constant 1 : i32
    %while3A_22 = arith.divsi %while3A_19, %while3A_21 : i32
    %while3A_23 = arith.muli %while3A_22, %while3A_21 : i32
    %while3A_24 = arith.addi %while3A_18, %while3A_23 : i32
    %while3A_25 = arith.constant 1 : i32
    scf.for %while3A_29 = %while3A_18 to %while3A_24 step %while3A_25  : i32 {
      %mul3A_30 = arith.muli %while3A_29, %while3A : i32
      %add3A_31 = arith.addi %while3A_17, %mul3A_30 : i32
      %get3A = arith.index_cast %add3A_31 : i32 to index
      %get3A_32 = arith.constant 0 : index
      %get3A_33 = tpu.vector_load %arg4[%get3A, %get3A_32] {strides = array<i32>} : memref<160x64xi32, #tpu.memory_space<vmem>>, vector<16xi32>,
      tpu.vector_store_idx %arg5[%get3A_33], %broadcast_in_dim3A_7 {add = true} : memref<10000xf32, #tpu.memory_space<vmem>>[vector<16xi32>], vector<16xf32>,
      %get3A_34 = arith.index_cast %add3A_31 : i32 to index
      %get3A_35 = arith.constant 16 : index
      %get3A_36 = tpu.vector_load %arg4[%get3A_34, %get3A_35] {strides = array<i32>} : memref<160x64xi32, #tpu.memory_space<vmem>>, vector<16xi32>,
      tpu.vector_store_idx %arg5[%get3A_36], %broadcast_in_dim3A_7 {add = true} : memref<10000xf32, #tpu.memory_space<vmem>>[vector<16xi32>], vector<16xf32>,
      %get3A_37 = arith.index_cast %add3A_31 : i32 to index
      %get3A_38 = arith.constant 32 : index
      %get3A_39 = tpu.vector_load %arg4[%get3A_37, %get3A_38] {strides = array<i32>} : memref<160x64xi32, #tpu.memory_space<vmem>>, vector<16xi32>,
      tpu.vector_store_idx %arg5[%get3A_39], %broadcast_in_dim3A_7 {add = true} : memref<10000xf32, #tpu.memory_space<vmem>>[vector<16xi32>], vector<16xf32>,
      %get3A_40 = arith.index_cast %add3A_31 : i32 to index
      %get3A_41 = arith.constant 48 : index
      %get3A_42 = tpu.vector_load %arg4[%get3A_40, %get3A_41] {strides = array<i32>} : memref<160x64xi32, #tpu.memory_space<vmem>>, vector<16xi32>,
      tpu.vector_store_idx %arg5[%get3A_42], %broadcast_in_dim3A_7 {add = true} : memref<10000xf32, #tpu.memory_space<vmem>>[vector<16xi32>], vector<16xf32>,
    }
    %while3A_26 = arith.constant 1 : i32
    scf.for %while3A_29 = %while3A_24 to %while3A_20 step %while3A_26  : i32 {
      %mul3A_30 = arith.muli %while3A_29, %while3A : i32
      %add3A_31 = arith.addi %while3A_17, %mul3A_30 : i32
      %get3A = arith.index_cast %add3A_31 : i32 to index
      %get3A_32 = arith.constant 0 : index
      %get3A_33 = tpu.vector_load %arg4[%get3A, %get3A_32] {strides = array<i32>} : memref<160x64xi32, #tpu.memory_space<vmem>>, vector<16xi32>,
      tpu.vector_store_idx %arg5[%get3A_33], %broadcast_in_dim3A_7 {add = true} : memref<10000xf32, #tpu.memory_space<vmem>>[vector<16xi32>], vector<16xf32>,
      %get3A_34 = arith.index_cast %add3A_31 : i32 to index
      %get3A_35 = arith.constant 16 : index
      %get3A_36 = tpu.vector_load %arg4[%get3A_34, %get3A_35] {strides = array<i32>} : memref<160x64xi32, #tpu.memory_space<vmem>>, vector<16xi32>,
      tpu.vector_store_idx %arg5[%get3A_36], %broadcast_in_dim3A_7 {add = true} : memref<10000xf32, #tpu.memory_space<vmem>>[vector<16xi32>], vector<16xf32>,
      %get3A_37 = arith.index_cast %add3A_31 : i32 to index
      %get3A_38 = arith.constant 32 : index
      %get3A_39 = tpu.vector_load %arg4[%get3A_37, %get3A_38] {strides = array<i32>} : memref<160x64xi32, #tpu.memory_space<vmem>>, vector<16xi32>,
      tpu.vector_store_idx %arg5[%get3A_39], %broadcast_in_dim3A_7 {add = true} : memref<10000xf32, #tpu.memory_space<vmem>>[vector<16xi32>], vector<16xf32>,
      %get3A_40 = arith.index_cast %add3A_31 : i32 to index
      %get3A_41 = arith.constant 48 : index
      %get3A_42 = tpu.vector_load %arg4[%get3A_40, %get3A_41] {strides = array<i32>} : memref<160x64xi32, #tpu.memory_space<vmem>>, vector<16xi32>,
      tpu.vector_store_idx %arg5[%get3A_42], %broadcast_in_dim3A_7 {add = true} : memref<10000xf32, #tpu.memory_space<vmem>>[vector<16xi32>], vector<16xf32>,
    }
    %mul3A_27 = arith.constant 10000 : i32
    %mul3A_28 = arith.muli %add3A, %mul3A_27 : i32
    "tpu.region"() ({
      %run_scoped3A_29 = tpu.sem_alloc : memref<!tpu.dma_semaphore, #tpu.memory_space<semaphore_mem>>
      %dma_start3A = tpu.memref_slice %arg3[%mul3A_28] : memref<320000xf32, #tpu.memory_space<hbm>> -> memref<10000xf32, #tpu.memory_space<hbm>>
      %dma_start3A_30 = tpu.memref_slice %arg3[%mul3A_28] : memref<320000xf32, #tpu.memory_space<hbm>> -> memref<10000xf32, #tpu.memory_space<hbm>>
      tpu.enqueue_dma source(%arg5 : memref<10000xf32, #tpu.memory_space<vmem>>) target(%dma_start3A_30 : memref<10000xf32, #tpu.memory_space<hbm>>) target_semaphore(%run_scoped3A_29 : memref<!tpu.dma_semaphore, #tpu.memory_space<semaphore_mem>>)
      %dma_wait3A = tpu.memref_slice %arg3[%mul3A_28] : memref<320000xf32, #tpu.memory_space<hbm>> -> memref<10000xf32, #tpu.memory_space<hbm>>
      %dma_wait3A_31 = tpu.memref_slice %arg3[%mul3A_28] : memref<320000xf32, #tpu.memory_space<hbm>> -> memref<10000xf32, #tpu.memory_space<hbm>>
      tpu.wait_dma2 semaphore(%run_scoped3A_29 : memref<!tpu.dma_semaphore, #tpu.memory_space<semaphore_mem>>) src(%arg5 : memref<10000xf32, #tpu.memory_space<vmem>>) dst(%dma_wait3A_31 : memref<10000xf32, #tpu.memory_space<hbm>>)
      tpu.yield
    }) : () -> ()
    return
  }
}

#map = affine_map<(d0, d1) -> (0, 0)>
#map1 = affine_map<(d0, d1) -> (0, 0, 0)>
module attributes {stable_mosaic.version = 14 : i64} {
  func.func @_agg_body(%arg0: i32, %arg1: i32, %arg2: memref<10128x128xf32, #tpu.memory_space<hbm>>, %arg3: memref<2x5120x64xi32, #tpu.memory_space<hbm>>, %arg4: memref<10000x128xf32, #tpu.memory_space<hbm>>, %arg5: memref<2x10000x128xf32, #tpu.memory_space<hbm>>, %arg6: memref<16x64xi32, #tpu.memory_space<vmem>>, %arg7: memref<16x64xi32, #tpu.memory_space<vmem>>, %arg8: memref<64x128xf32, #tpu.memory_space<vmem>>, %arg9: memref<64x128xf32, #tpu.memory_space<vmem>>, %arg10: memref<64x128xf32, #tpu.memory_space<vmem>>, %arg11: memref<64x128xf32, #tpu.memory_space<vmem>>, %arg12: memref<!tpu.dma_semaphore, #tpu.memory_space<semaphore_mem>>, %arg13: memref<!tpu.dma_semaphore, #tpu.memory_space<semaphore_mem>>, %arg14: memref<!tpu.dma_semaphore, #tpu.memory_space<semaphore_mem>>, %arg15: memref<!tpu.dma_semaphore, #tpu.memory_space<semaphore_mem>>, %arg16: memref<!tpu.dma_semaphore, #tpu.memory_space<semaphore_mem>>, %arg17: memref<!tpu.dma_semaphore, #tpu.memory_space<semaphore_mem>>, %arg18: memref<!tpu.dma_semaphore, #tpu.memory_space<semaphore_mem>>, %arg19: memref<!tpu.dma_semaphore, #tpu.memory_space<semaphore_mem>>, %arg20: memref<10000x128xf32, #tpu.memory_space<vmem_shared>>) attributes {dimension_semantics = [#tpu.dimension_semantics<core_parallel>, #tpu.dimension_semantics<subcore_parallel>], iteration_bounds = array<i64: 2, 16>, scalar_prefetch = 0 : i64, scratch_operands = 15 : i64, tpu.core_type = #tpu.core_type<sc_vector_subcore>, window_params = [{transform_indices = #map}, {transform_indices = #map1}, {transform_indices = #map}, {transform_indices = #map1}]} {
    %mul3A = arith.constant 624 : i32
    %mul3A_0 = arith.muli %arg1, %mul3A : i32
    "tpu.region"() ({
      %run_scoped3A = tpu.sem_alloc : memref<!tpu.dma_semaphore, #tpu.memory_space<semaphore_mem>>
      %dma_start3A = arith.constant 0 : i32
      %dma_start3A_38 = tpu.memref_slice %arg20[%mul3A_0, %dma_start3A] : memref<10000x128xf32, #tpu.memory_space<vmem_shared>> -> memref<624x128xf32, #tpu.memory_space<vmem_shared>>
      %dma_start3A_39 = arith.constant 0 : i32
      %dma_start3A_40 = tpu.memref_slice %arg4[%mul3A_0, %dma_start3A_39] : memref<10000x128xf32, #tpu.memory_space<hbm>> -> memref<624x128xf32, #tpu.memory_space<hbm>>
      tpu.enqueue_dma source(%dma_start3A_40 : memref<624x128xf32, #tpu.memory_space<hbm>>) target(%dma_start3A_38 : memref<624x128xf32, #tpu.memory_space<vmem_shared>>) target_semaphore(%run_scoped3A : memref<!tpu.dma_semaphore, #tpu.memory_space<semaphore_mem>>)
      %dma_wait3A = arith.constant 0 : i32
      %dma_wait3A_41 = tpu.memref_slice %arg20[%mul3A_0, %dma_wait3A] : memref<10000x128xf32, #tpu.memory_space<vmem_shared>> -> memref<624x128xf32, #tpu.memory_space<vmem_shared>>
      %dma_wait3A_42 = arith.constant 0 : i32
      %dma_wait3A_43 = tpu.memref_slice %arg4[%mul3A_0, %dma_wait3A_42] : memref<10000x128xf32, #tpu.memory_space<hbm>> -> memref<624x128xf32, #tpu.memory_space<hbm>>
      tpu.wait_dma2 semaphore(%run_scoped3A : memref<!tpu.dma_semaphore, #tpu.memory_space<semaphore_mem>>) src(%dma_wait3A_43 : memref<624x128xf32, #tpu.memory_space<hbm>>) dst(%dma_wait3A_41 : memref<624x128xf32, #tpu.memory_space<vmem_shared>>)
      tpu.yield
    }) : () -> ()
    %eq3A = arith.constant 15 : i32
    %eq3A_1 = arith.cmpi eq, %arg1, %eq3A : i32
    %convert_element_type3A = arith.extui %eq3A_1 : i1 to i32
    %cond3A = arith.constant 0 : i32
    %cond3A_2 = arith.cmpi ne, %convert_element_type3A, %cond3A : i32
    scf.if %cond3A_2 {
      "tpu.region"() ({
        %run_scoped3A = tpu.sem_alloc : memref<!tpu.dma_semaphore, #tpu.memory_space<semaphore_mem>>
        %dma_start3A = arith.constant 9984 : i32
        %dma_start3A_38 = arith.constant 0 : i32
        %dma_start3A_39 = tpu.memref_slice %arg20[%dma_start3A, %dma_start3A_38] : memref<10000x128xf32, #tpu.memory_space<vmem_shared>> -> memref<16x128xf32, #tpu.memory_space<vmem_shared>>
        %dma_start3A_40 = arith.constant 9984 : i32
        %dma_start3A_41 = arith.constant 0 : i32
        %dma_start3A_42 = tpu.memref_slice %arg4[%dma_start3A_40, %dma_start3A_41] : memref<10000x128xf32, #tpu.memory_space<hbm>> -> memref<16x128xf32, #tpu.memory_space<hbm>>
        tpu.enqueue_dma source(%dma_start3A_42 : memref<16x128xf32, #tpu.memory_space<hbm>>) target(%dma_start3A_39 : memref<16x128xf32, #tpu.memory_space<vmem_shared>>) target_semaphore(%run_scoped3A : memref<!tpu.dma_semaphore, #tpu.memory_space<semaphore_mem>>)
        %dma_wait3A = arith.constant 9984 : i32
        %dma_wait3A_43 = arith.constant 0 : i32
        %dma_wait3A_44 = tpu.memref_slice %arg20[%dma_wait3A, %dma_wait3A_43] : memref<10000x128xf32, #tpu.memory_space<vmem_shared>> -> memref<16x128xf32, #tpu.memory_space<vmem_shared>>
        %dma_wait3A_45 = arith.constant 9984 : i32
        %dma_wait3A_46 = arith.constant 0 : i32
        %dma_wait3A_47 = tpu.memref_slice %arg4[%dma_wait3A_45, %dma_wait3A_46] : memref<10000x128xf32, #tpu.memory_space<hbm>> -> memref<16x128xf32, #tpu.memory_space<hbm>>
        tpu.wait_dma2 semaphore(%run_scoped3A : memref<!tpu.dma_semaphore, #tpu.memory_space<semaphore_mem>>) src(%dma_wait3A_47 : memref<16x128xf32, #tpu.memory_space<hbm>>) dst(%dma_wait3A_44 : memref<16x128xf32, #tpu.memory_space<vmem_shared>>)
        tpu.yield
      }) : () -> ()
    } else {
    }
    %barrier3A = arith.constant 0 : index
    tpu.barrier barrier_id(%barrier3A)
    %eq3A_3 = arith.constant 0 : i32
    %eq3A_4 = arith.cmpi eq, %arg0, %eq3A_3 : i32
    %mul3A_5 = arith.constant 160 : i32
    %mul3A_6 = arith.muli %arg1, %mul3A_5 : i32
    %mul3A_7 = arith.constant 160 : i32
    %mul3A_8 = arith.muli %arg1, %mul3A_7 : i32
    %add3A = arith.constant 2560 : i32
    %add3A_9 = arith.addi %add3A, %mul3A_8 : i32
    %select_n3A = arith.select %eq3A_4, %mul3A_6, %add3A_9 : i32
    %eq3A_10 = arith.constant 0 : i32
    %eq3A_11 = arith.cmpi eq, %arg0, %eq3A_10 : i32
    %jit3A = arith.constant 10 : i32
    %jit3A_12 = arith.constant 10 : i32
    %select_n3A_13 = arith.select %eq3A_11, %jit3A, %jit3A_12 : i32
    %sub3A = arith.constant 0 : i32
    %sub3A_14 = arith.subi %select_n3A_13, %sub3A : i32
    %sub3A_15 = arith.constant 1 : i32
    %sub3A_16 = arith.constant 1 : i32
    %sub3A_17 = arith.subi %sub3A_15, %sub3A_16 : i32
    %add3A_18 = arith.addi %sub3A_14, %sub3A_17 : i32
    %div3A = arith.constant 1 : i32
    %div3A_19 = arith.divsi %add3A_18, %div3A : i32
    %while3A = arith.constant 1 : i32
    %while3A_20 = arith.constant 0 : i32
    %while3A_21 = arith.constant 0 : i32
    %while3A_22 = arith.subi %div3A_19, %while3A_21 : i32
    %while3A_23 = arith.addi %while3A_21, %while3A_22 : i32
    %while3A_24 = arith.constant 1 : i32
    %while3A_25 = arith.divsi %while3A_22, %while3A_24 : i32
    %while3A_26 = arith.muli %while3A_25, %while3A_24 : i32
    %while3A_27 = arith.addi %while3A_21, %while3A_26 : i32
    %while3A_28 = arith.constant 1 : i32
    scf.for %while3A_38 = %while3A_21 to %while3A_27 step %while3A_28  : i32 {
      %mul3A_39 = arith.muli %while3A_38, %while3A : i32
      %add3A_40 = arith.addi %while3A_20, %mul3A_39 : i32
      %mul3A_41 = arith.constant 16 : i32
      %mul3A_42 = arith.muli %add3A_40, %mul3A_41 : i32
      %add3A_43 = arith.addi %select_n3A, %mul3A_42 : i32
      %run_scoped3A = arith.constant 0 : i32
      "tpu.region"() ({
        %run_scoped3A_76 = tpu.sem_alloc : memref<!tpu.dma_semaphore, #tpu.memory_space<semaphore_mem>>
        %dma_start3A_77 = arith.constant 0 : i32
        %dma_start3A_78 = tpu.memref_slice %arg3[%run_scoped3A, %add3A_43, %dma_start3A_77] : memref<2x5120x64xi32, #tpu.memory_space<hbm>> -> memref<1x16x64xi32, #tpu.memory_space<hbm>>
        %dma_start3A_79 = tpu.memref_squeeze %dma_start3A_78 : memref<1x16x64xi32, #tpu.memory_space<hbm>> -> memref<16x64xi32, #tpu.memory_space<hbm>>
        %dma_start3A_80 = arith.constant 0 : i32
        %dma_start3A_81 = tpu.memref_slice %arg3[%run_scoped3A, %add3A_43, %dma_start3A_80] : memref<2x5120x64xi32, #tpu.memory_space<hbm>> -> memref<1x16x64xi32, #tpu.memory_space<hbm>>
        %dma_start3A_82 = tpu.memref_squeeze %dma_start3A_81 : memref<1x16x64xi32, #tpu.memory_space<hbm>> -> memref<16x64xi32, #tpu.memory_space<hbm>>
        tpu.enqueue_dma source(%dma_start3A_82 : memref<16x64xi32, #tpu.memory_space<hbm>>) target(%arg6 : memref<16x64xi32, #tpu.memory_space<vmem>>) target_semaphore(%run_scoped3A_76 : memref<!tpu.dma_semaphore, #tpu.memory_space<semaphore_mem>>)
        %dma_wait3A = arith.constant 0 : i32
        %dma_wait3A_83 = tpu.memref_slice %arg3[%run_scoped3A, %add3A_43, %dma_wait3A] : memref<2x5120x64xi32, #tpu.memory_space<hbm>> -> memref<1x16x64xi32, #tpu.memory_space<hbm>>
        %dma_wait3A_84 = tpu.memref_squeeze %dma_wait3A_83 : memref<1x16x64xi32, #tpu.memory_space<hbm>> -> memref<16x64xi32, #tpu.memory_space<hbm>>
        %dma_wait3A_85 = arith.constant 0 : i32
        %dma_wait3A_86 = tpu.memref_slice %arg3[%run_scoped3A, %add3A_43, %dma_wait3A_85] : memref<2x5120x64xi32, #tpu.memory_space<hbm>> -> memref<1x16x64xi32, #tpu.memory_space<hbm>>
        %dma_wait3A_87 = tpu.memref_squeeze %dma_wait3A_86 : memref<1x16x64xi32, #tpu.memory_space<hbm>> -> memref<16x64xi32, #tpu.memory_space<hbm>>
        tpu.wait_dma2 semaphore(%run_scoped3A_76 : memref<!tpu.dma_semaphore, #tpu.memory_space<semaphore_mem>>) src(%dma_wait3A_87 : memref<16x64xi32, #tpu.memory_space<hbm>>) dst(%arg6 : memref<16x64xi32, #tpu.memory_space<vmem>>)
        tpu.yield
      }) : () -> ()
      %run_scoped3A_44 = arith.constant 1 : i32
      "tpu.region"() ({
        %run_scoped3A_76 = tpu.sem_alloc : memref<!tpu.dma_semaphore, #tpu.memory_space<semaphore_mem>>
        %dma_start3A_77 = arith.constant 0 : i32
        %dma_start3A_78 = tpu.memref_slice %arg3[%run_scoped3A_44, %add3A_43, %dma_start3A_77] : memref<2x5120x64xi32, #tpu.memory_space<hbm>> -> memref<1x16x64xi32, #tpu.memory_space<hbm>>
        %dma_start3A_79 = tpu.memref_squeeze %dma_start3A_78 : memref<1x16x64xi32, #tpu.memory_space<hbm>> -> memref<16x64xi32, #tpu.memory_space<hbm>>
        %dma_start3A_80 = arith.constant 0 : i32
        %dma_start3A_81 = tpu.memref_slice %arg3[%run_scoped3A_44, %add3A_43, %dma_start3A_80] : memref<2x5120x64xi32, #tpu.memory_space<hbm>> -> memref<1x16x64xi32, #tpu.memory_space<hbm>>
        %dma_start3A_82 = tpu.memref_squeeze %dma_start3A_81 : memref<1x16x64xi32, #tpu.memory_space<hbm>> -> memref<16x64xi32, #tpu.memory_space<hbm>>
        tpu.enqueue_dma source(%dma_start3A_82 : memref<16x64xi32, #tpu.memory_space<hbm>>) target(%arg7 : memref<16x64xi32, #tpu.memory_space<vmem>>) target_semaphore(%run_scoped3A_76 : memref<!tpu.dma_semaphore, #tpu.memory_space<semaphore_mem>>)
        %dma_wait3A = arith.constant 0 : i32
        %dma_wait3A_83 = tpu.memref_slice %arg3[%run_scoped3A_44, %add3A_43, %dma_wait3A] : memref<2x5120x64xi32, #tpu.memory_space<hbm>> -> memref<1x16x64xi32, #tpu.memory_space<hbm>>
        %dma_wait3A_84 = tpu.memref_squeeze %dma_wait3A_83 : memref<1x16x64xi32, #tpu.memory_space<hbm>> -> memref<16x64xi32, #tpu.memory_space<hbm>>
        %dma_wait3A_85 = arith.constant 0 : i32
        %dma_wait3A_86 = tpu.memref_slice %arg3[%run_scoped3A_44, %add3A_43, %dma_wait3A_85] : memref<2x5120x64xi32, #tpu.memory_space<hbm>> -> memref<1x16x64xi32, #tpu.memory_space<hbm>>
        %dma_wait3A_87 = tpu.memref_squeeze %dma_wait3A_86 : memref<1x16x64xi32, #tpu.memory_space<hbm>> -> memref<16x64xi32, #tpu.memory_space<hbm>>
        tpu.wait_dma2 semaphore(%run_scoped3A_76 : memref<!tpu.dma_semaphore, #tpu.memory_space<semaphore_mem>>) src(%dma_wait3A_87 : memref<16x64xi32, #tpu.memory_space<hbm>>) dst(%arg7 : memref<16x64xi32, #tpu.memory_space<vmem>>)
        tpu.yield
      }) : () -> ()
      %dma_start3A = arith.constant 0 : i32
      %dma_start3A_45 = arith.constant 0 : i32
      %dma_start3A_46 = tpu.memref_slice %arg6[%dma_start3A, %dma_start3A_45] : memref<16x64xi32, #tpu.memory_space<vmem>> -> memref<1x64xi32, #tpu.memory_space<vmem>>
      %dma_start3A_47 = tpu.memref_squeeze %dma_start3A_46 : memref<1x64xi32, #tpu.memory_space<vmem>> -> memref<64xi32, #tpu.memory_space<vmem>>
      %dma_start3A_48 = arith.constant 0 : i32
      %dma_start3A_49 = arith.constant 0 : i32
      %dma_start3A_50 = tpu.memref_slice %arg2[%dma_start3A_48, %dma_start3A_49] : memref<10128x128xf32, #tpu.memory_space<hbm>> -> memref<10128x128xf32, #tpu.memory_space<hbm>>
      tpu.enqueue_indirect_dma source(%dma_start3A_50 : memref<10128x128xf32, #tpu.memory_space<hbm>>) target(%arg8 : memref<64x128xf32, #tpu.memory_space<vmem>>) offsets(%dma_start3A_47 : memref<64xi32, #tpu.memory_space<vmem>>) semaphore(%arg12 : memref<!tpu.dma_semaphore, #tpu.memory_space<semaphore_mem>>)
      %dma_start3A_51 = arith.constant 1 : i32
      %dma_start3A_52 = arith.constant 0 : i32
      %dma_start3A_53 = tpu.memref_slice %arg6[%dma_start3A_51, %dma_start3A_52] : memref<16x64xi32, #tpu.memory_space<vmem>> -> memref<1x64xi32, #tpu.memory_space<vmem>>
      %dma_start3A_54 = tpu.memref_squeeze %dma_start3A_53 : memref<1x64xi32, #tpu.memory_space<vmem>> -> memref<64xi32, #tpu.memory_space<vmem>>
      %dma_start3A_55 = arith.constant 0 : i32
      %dma_start3A_56 = arith.constant 0 : i32
      %dma_start3A_57 = tpu.memref_slice %arg2[%dma_start3A_55, %dma_start3A_56] : memref<10128x128xf32, #tpu.memory_space<hbm>> -> memref<10128x128xf32, #tpu.memory_space<hbm>>
      tpu.enqueue_indirect_dma source(%dma_start3A_57 : memref<10128x128xf32, #tpu.memory_space<hbm>>) target(%arg9 : memref<64x128xf32, #tpu.memory_space<vmem>>) offsets(%dma_start3A_54 : memref<64xi32, #tpu.memory_space<vmem>>) semaphore(%arg13 : memref<!tpu.dma_semaphore, #tpu.memory_space<semaphore_mem>>)
      %dma_start3A_58 = arith.constant 2 : i32
      %dma_start3A_59 = arith.constant 0 : i32
      %dma_start3A_60 = tpu.memref_slice %arg6[%dma_start3A_58, %dma_start3A_59] : memref<16x64xi32, #tpu.memory_space<vmem>> -> memref<1x64xi32, #tpu.memory_space<vmem>>
      %dma_start3A_61 = tpu.memref_squeeze %dma_start3A_60 : memref<1x64xi32, #tpu.memory_space<vmem>> -> memref<64xi32, #tpu.memory_space<vmem>>
      %dma_start3A_62 = arith.constant 0 : i32
      %dma_start3A_63 = arith.constant 0 : i32
      %dma_start3A_64 = tpu.memref_slice %arg2[%dma_start3A_62, %dma_start3A_63] : memref<10128x128xf32, #tpu.memory_space<hbm>> -> memref<10128x128xf32, #tpu.memory_space<hbm>>
      tpu.enqueue_indirect_dma source(%dma_start3A_64 : memref<10128x128xf32, #tpu.memory_space<hbm>>) target(%arg10 : memref<64x128xf32, #tpu.memory_space<vmem>>) offsets(%dma_start3A_61 : memref<64xi32, #tpu.memory_space<vmem>>) semaphore(%arg14 : memref<!tpu.dma_semaphore, #tpu.memory_space<semaphore_mem>>)
      %dma_start3A_65 = arith.constant 3 : i32
      %dma_start3A_66 = arith.constant 0 : i32
      %dma_start3A_67 = tpu.memref_slice %arg6[%dma_start3A_65, %dma_start3A_66] : memref<16x64xi32, #tpu.memory_space<vmem>> -> memref<1x64xi32, #tpu.memory_space<vmem>>
      %dma_start3A_68 = tpu.memref_squeeze %dma_start3A_67 : memref<1x64xi32, #tpu.memory_space<vmem>> -> memref<64xi32, #tpu.memory_space<vmem>>
      %dma_start3A_69 = arith.constant 0 : i32
      %dma_start3A_70 = arith.constant 0 : i32
      %dma_start3A_71 = tpu.memref_slice %arg2[%dma_start3A_69, %dma_start3A_70] : memref<10128x128xf32, #tpu.memory_space<hbm>> -> memref<10128x128xf32, #tpu.memory_space<hbm>>
      tpu.enqueue_indirect_dma source(%dma_start3A_71 : memref<10128x128xf32, #tpu.memory_space<hbm>>) target(%arg11 : memref<64x128xf32, #tpu.memory_space<vmem>>) offsets(%dma_start3A_68 : memref<64xi32, #tpu.memory_space<vmem>>) semaphore(%arg15 : memref<!tpu.dma_semaphore, #tpu.memory_space<semaphore_mem>>)
      %scan3A = arith.constant 0 : i32
      %scan3A_72 = arith.constant 4 : i32
      %scan3A_73 = arith.addi %scan3A, %scan3A_72 : i32
      %scan3A_74 = arith.constant 1 : i32
      scf.for %scan3A_76 = %scan3A to %scan3A_73 step %scan3A_74  : i32 {
        %mul3A_77 = arith.constant 1 : i32
        %mul3A_78 = arith.muli %scan3A_76, %mul3A_77 : i32
        %add3A_79 = arith.constant 0 : i32
        %add3A_80 = arith.addi %add3A_79, %mul3A_78 : i32
        %mul3A_81 = arith.constant 4 : i32
        %mul3A_82 = arith.muli %add3A_80, %mul3A_81 : i32
        %dma_wait3A = arith.constant 0 : i32
        %dma_wait3A_83 = arith.constant 0 : i32
        %dma_wait3A_84 = tpu.memref_slice %arg6[%dma_wait3A, %dma_wait3A_83] : memref<16x64xi32, #tpu.memory_space<vmem>> -> memref<1x64xi32, #tpu.memory_space<vmem>>
        %dma_wait3A_85 = tpu.memref_squeeze %dma_wait3A_84 : memref<1x64xi32, #tpu.memory_space<vmem>> -> memref<64xi32, #tpu.memory_space<vmem>>
        %dma_wait3A_86 = arith.constant 0 : i32
        %dma_wait3A_87 = arith.constant 0 : i32
        %dma_wait3A_88 = tpu.memref_slice %arg2[%dma_wait3A_86, %dma_wait3A_87] : memref<10128x128xf32, #tpu.memory_space<hbm>> -> memref<10128x128xf32, #tpu.memory_space<hbm>>
        tpu.wait_indirect_dma semaphore(%arg12 : memref<!tpu.dma_semaphore, #tpu.memory_space<semaphore_mem>>) src(%dma_wait3A_88 : memref<10128x128xf32, #tpu.memory_space<hbm>>) dst(%arg8 : memref<64x128xf32, #tpu.memory_space<vmem>>)
        %add3A_89 = arith.constant 0 : i32
        %add3A_90 = arith.addi %mul3A_82, %add3A_89 : i32
        %dma_start3A_91 = arith.constant 0 : i32
        %dma_start3A_92 = tpu.memref_slice %arg7[%add3A_90, %dma_start3A_91] : memref<16x64xi32, #tpu.memory_space<vmem>> -> memref<1x64xi32, #tpu.memory_space<vmem>>
        %dma_start3A_93 = tpu.memref_squeeze %dma_start3A_92 : memref<1x64xi32, #tpu.memory_space<vmem>> -> memref<64xi32, #tpu.memory_space<vmem>>
        %dma_start3A_94 = arith.constant 0 : i32
        %dma_start3A_95 = arith.constant 0 : i32
        %dma_start3A_96 = tpu.memref_slice %arg20[%dma_start3A_94, %dma_start3A_95] : memref<10000x128xf32, #tpu.memory_space<vmem_shared>> -> memref<10000x128xf32, #tpu.memory_space<vmem_shared>>
        tpu.enqueue_indirect_dma source(%arg8 : memref<64x128xf32, #tpu.memory_space<vmem>>) target(%dma_start3A_96 : memref<10000x128xf32, #tpu.memory_space<vmem_shared>>) offsets(%dma_start3A_93 : memref<64xi32, #tpu.memory_space<vmem>>) semaphore(%arg16 : memref<!tpu.dma_semaphore, #tpu.memory_space<semaphore_mem>>) {add = true}
        %dma_wait3A_97 = arith.constant 0 : i32
        %dma_wait3A_98 = arith.constant 0 : i32
        %dma_wait3A_99 = tpu.memref_slice %arg6[%dma_wait3A_97, %dma_wait3A_98] : memref<16x64xi32, #tpu.memory_space<vmem>> -> memref<1x64xi32, #tpu.memory_space<vmem>>
        %dma_wait3A_100 = tpu.memref_squeeze %dma_wait3A_99 : memref<1x64xi32, #tpu.memory_space<vmem>> -> memref<64xi32, #tpu.memory_space<vmem>>
        %dma_wait3A_101 = arith.constant 0 : i32
        %dma_wait3A_102 = arith.constant 0 : i32
        %dma_wait3A_103 = tpu.memref_slice %arg2[%dma_wait3A_101, %dma_wait3A_102] : memref<10128x128xf32, #tpu.memory_space<hbm>> -> memref<10128x128xf32, #tpu.memory_space<hbm>>
        tpu.wait_indirect_dma semaphore(%arg13 : memref<!tpu.dma_semaphore, #tpu.memory_space<semaphore_mem>>) src(%dma_wait3A_103 : memref<10128x128xf32, #tpu.memory_space<hbm>>) dst(%arg9 : memref<64x128xf32, #tpu.memory_space<vmem>>)
        %add3A_104 = arith.constant 1 : i32
        %add3A_105 = arith.addi %mul3A_82, %add3A_104 : i32
        %dma_start3A_106 = arith.constant 0 : i32
        %dma_start3A_107 = tpu.memref_slice %arg7[%add3A_105, %dma_start3A_106] : memref<16x64xi32, #tpu.memory_space<vmem>> -> memref<1x64xi32, #tpu.memory_space<vmem>>
        %dma_start3A_108 = tpu.memref_squeeze %dma_start3A_107 : memref<1x64xi32, #tpu.memory_space<vmem>> -> memref<64xi32, #tpu.memory_space<vmem>>
        %dma_start3A_109 = arith.constant 0 : i32
        %dma_start3A_110 = arith.constant 0 : i32
        %dma_start3A_111 = tpu.memref_slice %arg20[%dma_start3A_109, %dma_start3A_110] : memref<10000x128xf32, #tpu.memory_space<vmem_shared>> -> memref<10000x128xf32, #tpu.memory_space<vmem_shared>>
        tpu.enqueue_indirect_dma source(%arg9 : memref<64x128xf32, #tpu.memory_space<vmem>>) target(%dma_start3A_111 : memref<10000x128xf32, #tpu.memory_space<vmem_shared>>) offsets(%dma_start3A_108 : memref<64xi32, #tpu.memory_space<vmem>>) semaphore(%arg17 : memref<!tpu.dma_semaphore, #tpu.memory_space<semaphore_mem>>) {add = true}
        %dma_wait3A_112 = arith.constant 0 : i32
        %dma_wait3A_113 = arith.constant 0 : i32
        %dma_wait3A_114 = tpu.memref_slice %arg6[%dma_wait3A_112, %dma_wait3A_113] : memref<16x64xi32, #tpu.memory_space<vmem>> -> memref<1x64xi32, #tpu.memory_space<vmem>>
        %dma_wait3A_115 = tpu.memref_squeeze %dma_wait3A_114 : memref<1x64xi32, #tpu.memory_space<vmem>> -> memref<64xi32, #tpu.memory_space<vmem>>
        %dma_wait3A_116 = arith.constant 0 : i32
        %dma_wait3A_117 = arith.constant 0 : i32
        %dma_wait3A_118 = tpu.memref_slice %arg2[%dma_wait3A_116, %dma_wait3A_117] : memref<10128x128xf32, #tpu.memory_space<hbm>> -> memref<10128x128xf32, #tpu.memory_space<hbm>>
        tpu.wait_indirect_dma semaphore(%arg14 : memref<!tpu.dma_semaphore, #tpu.memory_space<semaphore_mem>>) src(%dma_wait3A_118 : memref<10128x128xf32, #tpu.memory_space<hbm>>) dst(%arg10 : memref<64x128xf32, #tpu.memory_space<vmem>>)
        %add3A_119 = arith.constant 2 : i32
        %add3A_120 = arith.addi %mul3A_82, %add3A_119 : i32
        %dma_start3A_121 = arith.constant 0 : i32
        %dma_start3A_122 = tpu.memref_slice %arg7[%add3A_120, %dma_start3A_121] : memref<16x64xi32, #tpu.memory_space<vmem>> -> memref<1x64xi32, #tpu.memory_space<vmem>>
        %dma_start3A_123 = tpu.memref_squeeze %dma_start3A_122 : memref<1x64xi32, #tpu.memory_space<vmem>> -> memref<64xi32, #tpu.memory_space<vmem>>
        %dma_start3A_124 = arith.constant 0 : i32
        %dma_start3A_125 = arith.constant 0 : i32
        %dma_start3A_126 = tpu.memref_slice %arg20[%dma_start3A_124, %dma_start3A_125] : memref<10000x128xf32, #tpu.memory_space<vmem_shared>> -> memref<10000x128xf32, #tpu.memory_space<vmem_shared>>
        tpu.enqueue_indirect_dma source(%arg10 : memref<64x128xf32, #tpu.memory_space<vmem>>) target(%dma_start3A_126 : memref<10000x128xf32, #tpu.memory_space<vmem_shared>>) offsets(%dma_start3A_123 : memref<64xi32, #tpu.memory_space<vmem>>) semaphore(%arg18 : memref<!tpu.dma_semaphore, #tpu.memory_space<semaphore_mem>>) {add = true}
        %dma_wait3A_127 = arith.constant 0 : i32
        %dma_wait3A_128 = arith.constant 0 : i32
        %dma_wait3A_129 = tpu.memref_slice %arg6[%dma_wait3A_127, %dma_wait3A_128] : memref<16x64xi32, #tpu.memory_space<vmem>> -> memref<1x64xi32, #tpu.memory_space<vmem>>
        %dma_wait3A_130 = tpu.memref_squeeze %dma_wait3A_129 : memref<1x64xi32, #tpu.memory_space<vmem>> -> memref<64xi32, #tpu.memory_space<vmem>>
        %dma_wait3A_131 = arith.constant 0 : i32
        %dma_wait3A_132 = arith.constant 0 : i32
        %dma_wait3A_133 = tpu.memref_slice %arg2[%dma_wait3A_131, %dma_wait3A_132] : memref<10128x128xf32, #tpu.memory_space<hbm>> -> memref<10128x128xf32, #tpu.memory_space<hbm>>
        tpu.wait_indirect_dma semaphore(%arg15 : memref<!tpu.dma_semaphore, #tpu.memory_space<semaphore_mem>>) src(%dma_wait3A_133 : memref<10128x128xf32, #tpu.memory_space<hbm>>) dst(%arg11 : memref<64x128xf32, #tpu.memory_space<vmem>>)
        %add3A_134 = arith.constant 3 : i32
        %add3A_135 = arith.addi %mul3A_82, %add3A_134 : i32
        %dma_start3A_136 = arith.constant 0 : i32
        %dma_start3A_137 = tpu.memref_slice %arg7[%add3A_135, %dma_start3A_136] : memref<16x64xi32, #tpu.memory_space<vmem>> -> memref<1x64xi32, #tpu.memory_space<vmem>>
        %dma_start3A_138 = tpu.memref_squeeze %dma_start3A_137 : memref<1x64xi32, #tpu.memory_space<vmem>> -> memref<64xi32, #tpu.memory_space<vmem>>
        %dma_start3A_139 = arith.constant 0 : i32
        %dma_start3A_140 = arith.constant 0 : i32
        %dma_start3A_141 = tpu.memref_slice %arg20[%dma_start3A_139, %dma_start3A_140] : memref<10000x128xf32, #tpu.memory_space<vmem_shared>> -> memref<10000x128xf32, #tpu.memory_space<vmem_shared>>
        tpu.enqueue_indirect_dma source(%arg11 : memref<64x128xf32, #tpu.memory_space<vmem>>) target(%dma_start3A_141 : memref<10000x128xf32, #tpu.memory_space<vmem_shared>>) offsets(%dma_start3A_138 : memref<64xi32, #tpu.memory_space<vmem>>) semaphore(%arg19 : memref<!tpu.dma_semaphore, #tpu.memory_space<semaphore_mem>>) {add = true}
        %dma_wait3A_142 = arith.constant 0 : i32
        %dma_wait3A_143 = arith.constant 0 : i32
        %dma_wait3A_144 = tpu.memref_slice %arg7[%dma_wait3A_142, %dma_wait3A_143] : memref<16x64xi32, #tpu.memory_space<vmem>> -> memref<1x64xi32, #tpu.memory_space<vmem>>
        %dma_wait3A_145 = tpu.memref_squeeze %dma_wait3A_144 : memref<1x64xi32, #tpu.memory_space<vmem>> -> memref<64xi32, #tpu.memory_space<vmem>>
        %dma_wait3A_146 = arith.constant 0 : i32
        %dma_wait3A_147 = arith.constant 0 : i32
        %dma_wait3A_148 = tpu.memref_slice %arg20[%dma_wait3A_146, %dma_wait3A_147] : memref<10000x128xf32, #tpu.memory_space<vmem_shared>> -> memref<10000x128xf32, #tpu.memory_space<vmem_shared>>
        tpu.wait_indirect_dma semaphore(%arg16 : memref<!tpu.dma_semaphore, #tpu.memory_space<semaphore_mem>>) src(%arg8 : memref<64x128xf32, #tpu.memory_space<vmem>>) dst(%dma_wait3A_148 : memref<10000x128xf32, #tpu.memory_space<vmem_shared>>)
        %add3A_149 = arith.constant 4 : i32
        %add3A_150 = arith.addi %mul3A_82, %add3A_149 : i32
        %add3A_151 = arith.constant 0 : i32
        %add3A_152 = arith.addi %add3A_150, %add3A_151 : i32
        %lt3A = arith.constant 16 : i32
        %lt3A_153 = arith.cmpi slt, %add3A_152, %lt3A : i32
        %convert_element_type3A_154 = arith.extui %lt3A_153 : i1 to i32
        %cond3A_155 = arith.constant 0 : i32
        %cond3A_156 = arith.cmpi ne, %convert_element_type3A_154, %cond3A_155 : i32
        scf.if %cond3A_156 {
          %dma_start3A_205 = arith.constant 0 : i32
          %dma_start3A_206 = tpu.memref_slice %arg6[%add3A_152, %dma_start3A_205] : memref<16x64xi32, #tpu.memory_space<vmem>> -> memref<1x64xi32, #tpu.memory_space<vmem>>
          %dma_start3A_207 = tpu.memref_squeeze %dma_start3A_206 : memref<1x64xi32, #tpu.memory_space<vmem>> -> memref<64xi32, #tpu.memory_space<vmem>>
          %dma_start3A_208 = arith.constant 0 : i32
          %dma_start3A_209 = arith.constant 0 : i32
          %dma_start3A_210 = tpu.memref_slice %arg2[%dma_start3A_208, %dma_start3A_209] : memref<10128x128xf32, #tpu.memory_space<hbm>> -> memref<10128x128xf32, #tpu.memory_space<hbm>>
          tpu.enqueue_indirect_dma source(%dma_start3A_210 : memref<10128x128xf32, #tpu.memory_space<hbm>>) target(%arg8 : memref<64x128xf32, #tpu.memory_space<vmem>>) offsets(%dma_start3A_207 : memref<64xi32, #tpu.memory_space<vmem>>) semaphore(%arg12 : memref<!tpu.dma_semaphore, #tpu.memory_space<semaphore_mem>>)
        } else {
        }
        %dma_wait3A_157 = arith.constant 0 : i32
        %dma_wait3A_158 = arith.constant 0 : i32
        %dma_wait3A_159 = tpu.memref_slice %arg7[%dma_wait3A_157, %dma_wait3A_158] : memref<16x64xi32, #tpu.memory_space<vmem>> -> memref<1x64xi32, #tpu.memory_space<vmem>>
        %dma_wait3A_160 = tpu.memref_squeeze %dma_wait3A_159 : memref<1x64xi32, #tpu.memory_space<vmem>> -> memref<64xi32, #tpu.memory_space<vmem>>
        %dma_wait3A_161 = arith.constant 0 : i32
        %dma_wait3A_162 = arith.constant 0 : i32
        %dma_wait3A_163 = tpu.memref_slice %arg20[%dma_wait3A_161, %dma_wait3A_162] : memref<10000x128xf32, #tpu.memory_space<vmem_shared>> -> memref<10000x128xf32, #tpu.memory_space<vmem_shared>>
        tpu.wait_indirect_dma semaphore(%arg17 : memref<!tpu.dma_semaphore, #tpu.memory_space<semaphore_mem>>) src(%arg9 : memref<64x128xf32, #tpu.memory_space<vmem>>) dst(%dma_wait3A_163 : memref<10000x128xf32, #tpu.memory_space<vmem_shared>>)
        %add3A_164 = arith.constant 4 : i32
        %add3A_165 = arith.addi %mul3A_82, %add3A_164 : i32
        %add3A_166 = arith.constant 1 : i32
        %add3A_167 = arith.addi %add3A_165, %add3A_166 : i32
        %lt3A_168 = arith.constant 16 : i32
        %lt3A_169 = arith.cmpi slt, %add3A_167, %lt3A_168 : i32
        %convert_element_type3A_170 = arith.extui %lt3A_169 : i1 to i32
        %cond3A_171 = arith.constant 0 : i32
        %cond3A_172 = arith.cmpi ne, %convert_element_type3A_170, %cond3A_171 : i32
        scf.if %cond3A_172 {
          %dma_start3A_205 = arith.constant 0 : i32
          %dma_start3A_206 = tpu.memref_slice %arg6[%add3A_167, %dma_start3A_205] : memref<16x64xi32, #tpu.memory_space<vmem>> -> memref<1x64xi32, #tpu.memory_space<vmem>>
          %dma_start3A_207 = tpu.memref_squeeze %dma_start3A_206 : memref<1x64xi32, #tpu.memory_space<vmem>> -> memref<64xi32, #tpu.memory_space<vmem>>
          %dma_start3A_208 = arith.constant 0 : i32
          %dma_start3A_209 = arith.constant 0 : i32
          %dma_start3A_210 = tpu.memref_slice %arg2[%dma_start3A_208, %dma_start3A_209] : memref<10128x128xf32, #tpu.memory_space<hbm>> -> memref<10128x128xf32, #tpu.memory_space<hbm>>
          tpu.enqueue_indirect_dma source(%dma_start3A_210 : memref<10128x128xf32, #tpu.memory_space<hbm>>) target(%arg9 : memref<64x128xf32, #tpu.memory_space<vmem>>) offsets(%dma_start3A_207 : memref<64xi32, #tpu.memory_space<vmem>>) semaphore(%arg13 : memref<!tpu.dma_semaphore, #tpu.memory_space<semaphore_mem>>)
        } else {
        }
        %dma_wait3A_173 = arith.constant 0 : i32
        %dma_wait3A_174 = arith.constant 0 : i32
        %dma_wait3A_175 = tpu.memref_slice %arg7[%dma_wait3A_173, %dma_wait3A_174] : memref<16x64xi32, #tpu.memory_space<vmem>> -> memref<1x64xi32, #tpu.memory_space<vmem>>
        %dma_wait3A_176 = tpu.memref_squeeze %dma_wait3A_175 : memref<1x64xi32, #tpu.memory_space<vmem>> -> memref<64xi32, #tpu.memory_space<vmem>>
        %dma_wait3A_177 = arith.constant 0 : i32
        %dma_wait3A_178 = arith.constant 0 : i32
        %dma_wait3A_179 = tpu.memref_slice %arg20[%dma_wait3A_177, %dma_wait3A_178] : memref<10000x128xf32, #tpu.memory_space<vmem_shared>> -> memref<10000x128xf32, #tpu.memory_space<vmem_shared>>
        tpu.wait_indirect_dma semaphore(%arg18 : memref<!tpu.dma_semaphore, #tpu.memory_space<semaphore_mem>>) src(%arg10 : memref<64x128xf32, #tpu.memory_space<vmem>>) dst(%dma_wait3A_179 : memref<10000x128xf32, #tpu.memory_space<vmem_shared>>)
        %add3A_180 = arith.constant 4 : i32
        %add3A_181 = arith.addi %mul3A_82, %add3A_180 : i32
        %add3A_182 = arith.constant 2 : i32
        %add3A_183 = arith.addi %add3A_181, %add3A_182 : i32
        %lt3A_184 = arith.constant 16 : i32
        %lt3A_185 = arith.cmpi slt, %add3A_183, %lt3A_184 : i32
        %convert_element_type3A_186 = arith.extui %lt3A_185 : i1 to i32
        %cond3A_187 = arith.constant 0 : i32
        %cond3A_188 = arith.cmpi ne, %convert_element_type3A_186, %cond3A_187 : i32
        scf.if %cond3A_188 {
          %dma_start3A_205 = arith.constant 0 : i32
          %dma_start3A_206 = tpu.memref_slice %arg6[%add3A_183, %dma_start3A_205] : memref<16x64xi32, #tpu.memory_space<vmem>> -> memref<1x64xi32, #tpu.memory_space<vmem>>
          %dma_start3A_207 = tpu.memref_squeeze %dma_start3A_206 : memref<1x64xi32, #tpu.memory_space<vmem>> -> memref<64xi32, #tpu.memory_space<vmem>>
          %dma_start3A_208 = arith.constant 0 : i32
          %dma_start3A_209 = arith.constant 0 : i32
          %dma_start3A_210 = tpu.memref_slice %arg2[%dma_start3A_208, %dma_start3A_209] : memref<10128x128xf32, #tpu.memory_space<hbm>> -> memref<10128x128xf32, #tpu.memory_space<hbm>>
          tpu.enqueue_indirect_dma source(%dma_start3A_210 : memref<10128x128xf32, #tpu.memory_space<hbm>>) target(%arg10 : memref<64x128xf32, #tpu.memory_space<vmem>>) offsets(%dma_start3A_207 : memref<64xi32, #tpu.memory_space<vmem>>) semaphore(%arg14 : memref<!tpu.dma_semaphore, #tpu.memory_space<semaphore_mem>>)
        } else {
        }
        %dma_wait3A_189 = arith.constant 0 : i32
        %dma_wait3A_190 = arith.constant 0 : i32
        %dma_wait3A_191 = tpu.memref_slice %arg7[%dma_wait3A_189, %dma_wait3A_190] : memref<16x64xi32, #tpu.memory_space<vmem>> -> memref<1x64xi32, #tpu.memory_space<vmem>>
        %dma_wait3A_192 = tpu.memref_squeeze %dma_wait3A_191 : memref<1x64xi32, #tpu.memory_space<vmem>> -> memref<64xi32, #tpu.memory_space<vmem>>
        %dma_wait3A_193 = arith.constant 0 : i32
        %dma_wait3A_194 = arith.constant 0 : i32
        %dma_wait3A_195 = tpu.memref_slice %arg20[%dma_wait3A_193, %dma_wait3A_194] : memref<10000x128xf32, #tpu.memory_space<vmem_shared>> -> memref<10000x128xf32, #tpu.memory_space<vmem_shared>>
        tpu.wait_indirect_dma semaphore(%arg19 : memref<!tpu.dma_semaphore, #tpu.memory_space<semaphore_mem>>) src(%arg11 : memref<64x128xf32, #tpu.memory_space<vmem>>) dst(%dma_wait3A_195 : memref<10000x128xf32, #tpu.memory_space<vmem_shared>>)
        %add3A_196 = arith.constant 4 : i32
        %add3A_197 = arith.addi %mul3A_82, %add3A_196 : i32
        %add3A_198 = arith.constant 3 : i32
        %add3A_199 = arith.addi %add3A_197, %add3A_198 : i32
        %lt3A_200 = arith.constant 16 : i32
        %lt3A_201 = arith.cmpi slt, %add3A_199, %lt3A_200 : i32
        %convert_element_type3A_202 = arith.extui %lt3A_201 : i1 to i32
        %cond3A_203 = arith.constant 0 : i32
        %cond3A_204 = arith.cmpi ne, %convert_element_type3A_202, %cond3A_203 : i32
        scf.if %cond3A_204 {
          %dma_start3A_205 = arith.constant 0 : i32
          %dma_start3A_206 = tpu.memref_slice %arg6[%add3A_199, %dma_start3A_205] : memref<16x64xi32, #tpu.memory_space<vmem>> -> memref<1x64xi32, #tpu.memory_space<vmem>>
          %dma_start3A_207 = tpu.memref_squeeze %dma_start3A_206 : memref<1x64xi32, #tpu.memory_space<vmem>> -> memref<64xi32, #tpu.memory_space<vmem>>
          %dma_start3A_208 = arith.constant 0 : i32
          %dma_start3A_209 = arith.constant 0 : i32
          %dma_start3A_210 = tpu.memref_slice %arg2[%dma_start3A_208, %dma_start3A_209] : memref<10128x128xf32, #tpu.memory_space<hbm>> -> memref<10128x128xf32, #tpu.memory_space<hbm>>
          tpu.enqueue_indirect_dma source(%dma_start3A_210 : memref<10128x128xf32, #tpu.memory_space<hbm>>) target(%arg11 : memref<64x128xf32, #tpu.memory_space<vmem>>) offsets(%dma_start3A_207 : memref<64xi32, #tpu.memory_space<vmem>>) semaphore(%arg15 : memref<!tpu.dma_semaphore, #tpu.memory_space<semaphore_mem>>)
        } else {
        }
      }
      %scan3A_75 = arith.constant 4 : i32
    }
    %while3A_29 = arith.constant 1 : i32
    scf.for %while3A_38 = %while3A_27 to %while3A_23 step %while3A_29  : i32 {
      %mul3A_39 = arith.muli %while3A_38, %while3A : i32
      %add3A_40 = arith.addi %while3A_20, %mul3A_39 : i32
      %mul3A_41 = arith.constant 16 : i32
      %mul3A_42 = arith.muli %add3A_40, %mul3A_41 : i32
      %add3A_43 = arith.addi %select_n3A, %mul3A_42 : i32
      %run_scoped3A = arith.constant 0 : i32
      "tpu.region"() ({
        %run_scoped3A_76 = tpu.sem_alloc : memref<!tpu.dma_semaphore, #tpu.memory_space<semaphore_mem>>
        %dma_start3A_77 = arith.constant 0 : i32
        %dma_start3A_78 = tpu.memref_slice %arg3[%run_scoped3A, %add3A_43, %dma_start3A_77] : memref<2x5120x64xi32, #tpu.memory_space<hbm>> -> memref<1x16x64xi32, #tpu.memory_space<hbm>>
        %dma_start3A_79 = tpu.memref_squeeze %dma_start3A_78 : memref<1x16x64xi32, #tpu.memory_space<hbm>> -> memref<16x64xi32, #tpu.memory_space<hbm>>
        %dma_start3A_80 = arith.constant 0 : i32
        %dma_start3A_81 = tpu.memref_slice %arg3[%run_scoped3A, %add3A_43, %dma_start3A_80] : memref<2x5120x64xi32, #tpu.memory_space<hbm>> -> memref<1x16x64xi32, #tpu.memory_space<hbm>>
        %dma_start3A_82 = tpu.memref_squeeze %dma_start3A_81 : memref<1x16x64xi32, #tpu.memory_space<hbm>> -> memref<16x64xi32, #tpu.memory_space<hbm>>
        tpu.enqueue_dma source(%dma_start3A_82 : memref<16x64xi32, #tpu.memory_space<hbm>>) target(%arg6 : memref<16x64xi32, #tpu.memory_space<vmem>>) target_semaphore(%run_scoped3A_76 : memref<!tpu.dma_semaphore, #tpu.memory_space<semaphore_mem>>)
        %dma_wait3A = arith.constant 0 : i32
        %dma_wait3A_83 = tpu.memref_slice %arg3[%run_scoped3A, %add3A_43, %dma_wait3A] : memref<2x5120x64xi32, #tpu.memory_space<hbm>> -> memref<1x16x64xi32, #tpu.memory_space<hbm>>
        %dma_wait3A_84 = tpu.memref_squeeze %dma_wait3A_83 : memref<1x16x64xi32, #tpu.memory_space<hbm>> -> memref<16x64xi32, #tpu.memory_space<hbm>>
        %dma_wait3A_85 = arith.constant 0 : i32
        %dma_wait3A_86 = tpu.memref_slice %arg3[%run_scoped3A, %add3A_43, %dma_wait3A_85] : memref<2x5120x64xi32, #tpu.memory_space<hbm>> -> memref<1x16x64xi32, #tpu.memory_space<hbm>>
        %dma_wait3A_87 = tpu.memref_squeeze %dma_wait3A_86 : memref<1x16x64xi32, #tpu.memory_space<hbm>> -> memref<16x64xi32, #tpu.memory_space<hbm>>
        tpu.wait_dma2 semaphore(%run_scoped3A_76 : memref<!tpu.dma_semaphore, #tpu.memory_space<semaphore_mem>>) src(%dma_wait3A_87 : memref<16x64xi32, #tpu.memory_space<hbm>>) dst(%arg6 : memref<16x64xi32, #tpu.memory_space<vmem>>)
        tpu.yield
      }) : () -> ()
      %run_scoped3A_44 = arith.constant 1 : i32
      "tpu.region"() ({
        %run_scoped3A_76 = tpu.sem_alloc : memref<!tpu.dma_semaphore, #tpu.memory_space<semaphore_mem>>
        %dma_start3A_77 = arith.constant 0 : i32
        %dma_start3A_78 = tpu.memref_slice %arg3[%run_scoped3A_44, %add3A_43, %dma_start3A_77] : memref<2x5120x64xi32, #tpu.memory_space<hbm>> -> memref<1x16x64xi32, #tpu.memory_space<hbm>>
        %dma_start3A_79 = tpu.memref_squeeze %dma_start3A_78 : memref<1x16x64xi32, #tpu.memory_space<hbm>> -> memref<16x64xi32, #tpu.memory_space<hbm>>
        %dma_start3A_80 = arith.constant 0 : i32
        %dma_start3A_81 = tpu.memref_slice %arg3[%run_scoped3A_44, %add3A_43, %dma_start3A_80] : memref<2x5120x64xi32, #tpu.memory_space<hbm>> -> memref<1x16x64xi32, #tpu.memory_space<hbm>>
        %dma_start3A_82 = tpu.memref_squeeze %dma_start3A_81 : memref<1x16x64xi32, #tpu.memory_space<hbm>> -> memref<16x64xi32, #tpu.memory_space<hbm>>
        tpu.enqueue_dma source(%dma_start3A_82 : memref<16x64xi32, #tpu.memory_space<hbm>>) target(%arg7 : memref<16x64xi32, #tpu.memory_space<vmem>>) target_semaphore(%run_scoped3A_76 : memref<!tpu.dma_semaphore, #tpu.memory_space<semaphore_mem>>)
        %dma_wait3A = arith.constant 0 : i32
        %dma_wait3A_83 = tpu.memref_slice %arg3[%run_scoped3A_44, %add3A_43, %dma_wait3A] : memref<2x5120x64xi32, #tpu.memory_space<hbm>> -> memref<1x16x64xi32, #tpu.memory_space<hbm>>
        %dma_wait3A_84 = tpu.memref_squeeze %dma_wait3A_83 : memref<1x16x64xi32, #tpu.memory_space<hbm>> -> memref<16x64xi32, #tpu.memory_space<hbm>>
        %dma_wait3A_85 = arith.constant 0 : i32
        %dma_wait3A_86 = tpu.memref_slice %arg3[%run_scoped3A_44, %add3A_43, %dma_wait3A_85] : memref<2x5120x64xi32, #tpu.memory_space<hbm>> -> memref<1x16x64xi32, #tpu.memory_space<hbm>>
        %dma_wait3A_87 = tpu.memref_squeeze %dma_wait3A_86 : memref<1x16x64xi32, #tpu.memory_space<hbm>> -> memref<16x64xi32, #tpu.memory_space<hbm>>
        tpu.wait_dma2 semaphore(%run_scoped3A_76 : memref<!tpu.dma_semaphore, #tpu.memory_space<semaphore_mem>>) src(%dma_wait3A_87 : memref<16x64xi32, #tpu.memory_space<hbm>>) dst(%arg7 : memref<16x64xi32, #tpu.memory_space<vmem>>)
        tpu.yield
      }) : () -> ()
      %dma_start3A = arith.constant 0 : i32
      %dma_start3A_45 = arith.constant 0 : i32
      %dma_start3A_46 = tpu.memref_slice %arg6[%dma_start3A, %dma_start3A_45] : memref<16x64xi32, #tpu.memory_space<vmem>> -> memref<1x64xi32, #tpu.memory_space<vmem>>
      %dma_start3A_47 = tpu.memref_squeeze %dma_start3A_46 : memref<1x64xi32, #tpu.memory_space<vmem>> -> memref<64xi32, #tpu.memory_space<vmem>>
      %dma_start3A_48 = arith.constant 0 : i32
      %dma_start3A_49 = arith.constant 0 : i32
      %dma_start3A_50 = tpu.memref_slice %arg2[%dma_start3A_48, %dma_start3A_49] : memref<10128x128xf32, #tpu.memory_space<hbm>> -> memref<10128x128xf32, #tpu.memory_space<hbm>>
      tpu.enqueue_indirect_dma source(%dma_start3A_50 : memref<10128x128xf32, #tpu.memory_space<hbm>>) target(%arg8 : memref<64x128xf32, #tpu.memory_space<vmem>>) offsets(%dma_start3A_47 : memref<64xi32, #tpu.memory_space<vmem>>) semaphore(%arg12 : memref<!tpu.dma_semaphore, #tpu.memory_space<semaphore_mem>>)
      %dma_start3A_51 = arith.constant 1 : i32
      %dma_start3A_52 = arith.constant 0 : i32
      %dma_start3A_53 = tpu.memref_slice %arg6[%dma_start3A_51, %dma_start3A_52] : memref<16x64xi32, #tpu.memory_space<vmem>> -> memref<1x64xi32, #tpu.memory_space<vmem>>
      %dma_start3A_54 = tpu.memref_squeeze %dma_start3A_53 : memref<1x64xi32, #tpu.memory_space<vmem>> -> memref<64xi32, #tpu.memory_space<vmem>>
      %dma_start3A_55 = arith.constant 0 : i32
      %dma_start3A_56 = arith.constant 0 : i32
      %dma_start3A_57 = tpu.memref_slice %arg2[%dma_start3A_55, %dma_start3A_56] : memref<10128x128xf32, #tpu.memory_space<hbm>> -> memref<10128x128xf32, #tpu.memory_space<hbm>>
      tpu.enqueue_indirect_dma source(%dma_start3A_57 : memref<10128x128xf32, #tpu.memory_space<hbm>>) target(%arg9 : memref<64x128xf32, #tpu.memory_space<vmem>>) offsets(%dma_start3A_54 : memref<64xi32, #tpu.memory_space<vmem>>) semaphore(%arg13 : memref<!tpu.dma_semaphore, #tpu.memory_space<semaphore_mem>>)
      %dma_start3A_58 = arith.constant 2 : i32
      %dma_start3A_59 = arith.constant 0 : i32
      %dma_start3A_60 = tpu.memref_slice %arg6[%dma_start3A_58, %dma_start3A_59] : memref<16x64xi32, #tpu.memory_space<vmem>> -> memref<1x64xi32, #tpu.memory_space<vmem>>
      %dma_start3A_61 = tpu.memref_squeeze %dma_start3A_60 : memref<1x64xi32, #tpu.memory_space<vmem>> -> memref<64xi32, #tpu.memory_space<vmem>>
      %dma_start3A_62 = arith.constant 0 : i32
      %dma_start3A_63 = arith.constant 0 : i32
      %dma_start3A_64 = tpu.memref_slice %arg2[%dma_start3A_62, %dma_start3A_63] : memref<10128x128xf32, #tpu.memory_space<hbm>> -> memref<10128x128xf32, #tpu.memory_space<hbm>>
      tpu.enqueue_indirect_dma source(%dma_start3A_64 : memref<10128x128xf32, #tpu.memory_space<hbm>>) target(%arg10 : memref<64x128xf32, #tpu.memory_space<vmem>>) offsets(%dma_start3A_61 : memref<64xi32, #tpu.memory_space<vmem>>) semaphore(%arg14 : memref<!tpu.dma_semaphore, #tpu.memory_space<semaphore_mem>>)
      %dma_start3A_65 = arith.constant 3 : i32
      %dma_start3A_66 = arith.constant 0 : i32
      %dma_start3A_67 = tpu.memref_slice %arg6[%dma_start3A_65, %dma_start3A_66] : memref<16x64xi32, #tpu.memory_space<vmem>> -> memref<1x64xi32, #tpu.memory_space<vmem>>
      %dma_start3A_68 = tpu.memref_squeeze %dma_start3A_67 : memref<1x64xi32, #tpu.memory_space<vmem>> -> memref<64xi32, #tpu.memory_space<vmem>>
      %dma_start3A_69 = arith.constant 0 : i32
      %dma_start3A_70 = arith.constant 0 : i32
      %dma_start3A_71 = tpu.memref_slice %arg2[%dma_start3A_69, %dma_start3A_70] : memref<10128x128xf32, #tpu.memory_space<hbm>> -> memref<10128x128xf32, #tpu.memory_space<hbm>>
      tpu.enqueue_indirect_dma source(%dma_start3A_71 : memref<10128x128xf32, #tpu.memory_space<hbm>>) target(%arg11 : memref<64x128xf32, #tpu.memory_space<vmem>>) offsets(%dma_start3A_68 : memref<64xi32, #tpu.memory_space<vmem>>) semaphore(%arg15 : memref<!tpu.dma_semaphore, #tpu.memory_space<semaphore_mem>>)
      %scan3A = arith.constant 0 : i32
      %scan3A_72 = arith.constant 4 : i32
      %scan3A_73 = arith.addi %scan3A, %scan3A_72 : i32
      %scan3A_74 = arith.constant 1 : i32
      scf.for %scan3A_76 = %scan3A to %scan3A_73 step %scan3A_74  : i32 {
        %mul3A_77 = arith.constant 1 : i32
        %mul3A_78 = arith.muli %scan3A_76, %mul3A_77 : i32
        %add3A_79 = arith.constant 0 : i32
        %add3A_80 = arith.addi %add3A_79, %mul3A_78 : i32
        %mul3A_81 = arith.constant 4 : i32
        %mul3A_82 = arith.muli %add3A_80, %mul3A_81 : i32
        %dma_wait3A = arith.constant 0 : i32
        %dma_wait3A_83 = arith.constant 0 : i32
        %dma_wait3A_84 = tpu.memref_slice %arg6[%dma_wait3A, %dma_wait3A_83] : memref<16x64xi32, #tpu.memory_space<vmem>> -> memref<1x64xi32, #tpu.memory_space<vmem>>
        %dma_wait3A_85 = tpu.memref_squeeze %dma_wait3A_84 : memref<1x64xi32, #tpu.memory_space<vmem>> -> memref<64xi32, #tpu.memory_space<vmem>>
        %dma_wait3A_86 = arith.constant 0 : i32
        %dma_wait3A_87 = arith.constant 0 : i32
        %dma_wait3A_88 = tpu.memref_slice %arg2[%dma_wait3A_86, %dma_wait3A_87] : memref<10128x128xf32, #tpu.memory_space<hbm>> -> memref<10128x128xf32, #tpu.memory_space<hbm>>
        tpu.wait_indirect_dma semaphore(%arg12 : memref<!tpu.dma_semaphore, #tpu.memory_space<semaphore_mem>>) src(%dma_wait3A_88 : memref<10128x128xf32, #tpu.memory_space<hbm>>) dst(%arg8 : memref<64x128xf32, #tpu.memory_space<vmem>>)
        %add3A_89 = arith.constant 0 : i32
        %add3A_90 = arith.addi %mul3A_82, %add3A_89 : i32
        %dma_start3A_91 = arith.constant 0 : i32
        %dma_start3A_92 = tpu.memref_slice %arg7[%add3A_90, %dma_start3A_91] : memref<16x64xi32, #tpu.memory_space<vmem>> -> memref<1x64xi32, #tpu.memory_space<vmem>>
        %dma_start3A_93 = tpu.memref_squeeze %dma_start3A_92 : memref<1x64xi32, #tpu.memory_space<vmem>> -> memref<64xi32, #tpu.memory_space<vmem>>
        %dma_start3A_94 = arith.constant 0 : i32
        %dma_start3A_95 = arith.constant 0 : i32
        %dma_start3A_96 = tpu.memref_slice %arg20[%dma_start3A_94, %dma_start3A_95] : memref<10000x128xf32, #tpu.memory_space<vmem_shared>> -> memref<10000x128xf32, #tpu.memory_space<vmem_shared>>
        tpu.enqueue_indirect_dma source(%arg8 : memref<64x128xf32, #tpu.memory_space<vmem>>) target(%dma_start3A_96 : memref<10000x128xf32, #tpu.memory_space<vmem_shared>>) offsets(%dma_start3A_93 : memref<64xi32, #tpu.memory_space<vmem>>) semaphore(%arg16 : memref<!tpu.dma_semaphore, #tpu.memory_space<semaphore_mem>>) {add = true}
        %dma_wait3A_97 = arith.constant 0 : i32
        %dma_wait3A_98 = arith.constant 0 : i32
        %dma_wait3A_99 = tpu.memref_slice %arg6[%dma_wait3A_97, %dma_wait3A_98] : memref<16x64xi32, #tpu.memory_space<vmem>> -> memref<1x64xi32, #tpu.memory_space<vmem>>
        %dma_wait3A_100 = tpu.memref_squeeze %dma_wait3A_99 : memref<1x64xi32, #tpu.memory_space<vmem>> -> memref<64xi32, #tpu.memory_space<vmem>>
        %dma_wait3A_101 = arith.constant 0 : i32
        %dma_wait3A_102 = arith.constant 0 : i32
        %dma_wait3A_103 = tpu.memref_slice %arg2[%dma_wait3A_101, %dma_wait3A_102] : memref<10128x128xf32, #tpu.memory_space<hbm>> -> memref<10128x128xf32, #tpu.memory_space<hbm>>
        tpu.wait_indirect_dma semaphore(%arg13 : memref<!tpu.dma_semaphore, #tpu.memory_space<semaphore_mem>>) src(%dma_wait3A_103 : memref<10128x128xf32, #tpu.memory_space<hbm>>) dst(%arg9 : memref<64x128xf32, #tpu.memory_space<vmem>>)
        %add3A_104 = arith.constant 1 : i32
        %add3A_105 = arith.addi %mul3A_82, %add3A_104 : i32
        %dma_start3A_106 = arith.constant 0 : i32
        %dma_start3A_107 = tpu.memref_slice %arg7[%add3A_105, %dma_start3A_106] : memref<16x64xi32, #tpu.memory_space<vmem>> -> memref<1x64xi32, #tpu.memory_space<vmem>>
        %dma_start3A_108 = tpu.memref_squeeze %dma_start3A_107 : memref<1x64xi32, #tpu.memory_space<vmem>> -> memref<64xi32, #tpu.memory_space<vmem>>
        %dma_start3A_109 = arith.constant 0 : i32
        %dma_start3A_110 = arith.constant 0 : i32
        %dma_start3A_111 = tpu.memref_slice %arg20[%dma_start3A_109, %dma_start3A_110] : memref<10000x128xf32, #tpu.memory_space<vmem_shared>> -> memref<10000x128xf32, #tpu.memory_space<vmem_shared>>
        tpu.enqueue_indirect_dma source(%arg9 : memref<64x128xf32, #tpu.memory_space<vmem>>) target(%dma_start3A_111 : memref<10000x128xf32, #tpu.memory_space<vmem_shared>>) offsets(%dma_start3A_108 : memref<64xi32, #tpu.memory_space<vmem>>) semaphore(%arg17 : memref<!tpu.dma_semaphore, #tpu.memory_space<semaphore_mem>>) {add = true}
        %dma_wait3A_112 = arith.constant 0 : i32
        %dma_wait3A_113 = arith.constant 0 : i32
        %dma_wait3A_114 = tpu.memref_slice %arg6[%dma_wait3A_112, %dma_wait3A_113] : memref<16x64xi32, #tpu.memory_space<vmem>> -> memref<1x64xi32, #tpu.memory_space<vmem>>
        %dma_wait3A_115 = tpu.memref_squeeze %dma_wait3A_114 : memref<1x64xi32, #tpu.memory_space<vmem>> -> memref<64xi32, #tpu.memory_space<vmem>>
        %dma_wait3A_116 = arith.constant 0 : i32
        %dma_wait3A_117 = arith.constant 0 : i32
        %dma_wait3A_118 = tpu.memref_slice %arg2[%dma_wait3A_116, %dma_wait3A_117] : memref<10128x128xf32, #tpu.memory_space<hbm>> -> memref<10128x128xf32, #tpu.memory_space<hbm>>
        tpu.wait_indirect_dma semaphore(%arg14 : memref<!tpu.dma_semaphore, #tpu.memory_space<semaphore_mem>>) src(%dma_wait3A_118 : memref<10128x128xf32, #tpu.memory_space<hbm>>) dst(%arg10 : memref<64x128xf32, #tpu.memory_space<vmem>>)
        %add3A_119 = arith.constant 2 : i32
        %add3A_120 = arith.addi %mul3A_82, %add3A_119 : i32
        %dma_start3A_121 = arith.constant 0 : i32
        %dma_start3A_122 = tpu.memref_slice %arg7[%add3A_120, %dma_start3A_121] : memref<16x64xi32, #tpu.memory_space<vmem>> -> memref<1x64xi32, #tpu.memory_space<vmem>>
        %dma_start3A_123 = tpu.memref_squeeze %dma_start3A_122 : memref<1x64xi32, #tpu.memory_space<vmem>> -> memref<64xi32, #tpu.memory_space<vmem>>
        %dma_start3A_124 = arith.constant 0 : i32
        %dma_start3A_125 = arith.constant 0 : i32
        %dma_start3A_126 = tpu.memref_slice %arg20[%dma_start3A_124, %dma_start3A_125] : memref<10000x128xf32, #tpu.memory_space<vmem_shared>> -> memref<10000x128xf32, #tpu.memory_space<vmem_shared>>
        tpu.enqueue_indirect_dma source(%arg10 : memref<64x128xf32, #tpu.memory_space<vmem>>) target(%dma_start3A_126 : memref<10000x128xf32, #tpu.memory_space<vmem_shared>>) offsets(%dma_start3A_123 : memref<64xi32, #tpu.memory_space<vmem>>) semaphore(%arg18 : memref<!tpu.dma_semaphore, #tpu.memory_space<semaphore_mem>>) {add = true}
        %dma_wait3A_127 = arith.constant 0 : i32
        %dma_wait3A_128 = arith.constant 0 : i32
        %dma_wait3A_129 = tpu.memref_slice %arg6[%dma_wait3A_127, %dma_wait3A_128] : memref<16x64xi32, #tpu.memory_space<vmem>> -> memref<1x64xi32, #tpu.memory_space<vmem>>
        %dma_wait3A_130 = tpu.memref_squeeze %dma_wait3A_129 : memref<1x64xi32, #tpu.memory_space<vmem>> -> memref<64xi32, #tpu.memory_space<vmem>>
        %dma_wait3A_131 = arith.constant 0 : i32
        %dma_wait3A_132 = arith.constant 0 : i32
        %dma_wait3A_133 = tpu.memref_slice %arg2[%dma_wait3A_131, %dma_wait3A_132] : memref<10128x128xf32, #tpu.memory_space<hbm>> -> memref<10128x128xf32, #tpu.memory_space<hbm>>
        tpu.wait_indirect_dma semaphore(%arg15 : memref<!tpu.dma_semaphore, #tpu.memory_space<semaphore_mem>>) src(%dma_wait3A_133 : memref<10128x128xf32, #tpu.memory_space<hbm>>) dst(%arg11 : memref<64x128xf32, #tpu.memory_space<vmem>>)
        %add3A_134 = arith.constant 3 : i32
        %add3A_135 = arith.addi %mul3A_82, %add3A_134 : i32
        %dma_start3A_136 = arith.constant 0 : i32
        %dma_start3A_137 = tpu.memref_slice %arg7[%add3A_135, %dma_start3A_136] : memref<16x64xi32, #tpu.memory_space<vmem>> -> memref<1x64xi32, #tpu.memory_space<vmem>>
        %dma_start3A_138 = tpu.memref_squeeze %dma_start3A_137 : memref<1x64xi32, #tpu.memory_space<vmem>> -> memref<64xi32, #tpu.memory_space<vmem>>
        %dma_start3A_139 = arith.constant 0 : i32
        %dma_start3A_140 = arith.constant 0 : i32
        %dma_start3A_141 = tpu.memref_slice %arg20[%dma_start3A_139, %dma_start3A_140] : memref<10000x128xf32, #tpu.memory_space<vmem_shared>> -> memref<10000x128xf32, #tpu.memory_space<vmem_shared>>
        tpu.enqueue_indirect_dma source(%arg11 : memref<64x128xf32, #tpu.memory_space<vmem>>) target(%dma_start3A_141 : memref<10000x128xf32, #tpu.memory_space<vmem_shared>>) offsets(%dma_start3A_138 : memref<64xi32, #tpu.memory_space<vmem>>) semaphore(%arg19 : memref<!tpu.dma_semaphore, #tpu.memory_space<semaphore_mem>>) {add = true}
        %dma_wait3A_142 = arith.constant 0 : i32
        %dma_wait3A_143 = arith.constant 0 : i32
        %dma_wait3A_144 = tpu.memref_slice %arg7[%dma_wait3A_142, %dma_wait3A_143] : memref<16x64xi32, #tpu.memory_space<vmem>> -> memref<1x64xi32, #tpu.memory_space<vmem>>
        %dma_wait3A_145 = tpu.memref_squeeze %dma_wait3A_144 : memref<1x64xi32, #tpu.memory_space<vmem>> -> memref<64xi32, #tpu.memory_space<vmem>>
        %dma_wait3A_146 = arith.constant 0 : i32
        %dma_wait3A_147 = arith.constant 0 : i32
        %dma_wait3A_148 = tpu.memref_slice %arg20[%dma_wait3A_146, %dma_wait3A_147] : memref<10000x128xf32, #tpu.memory_space<vmem_shared>> -> memref<10000x128xf32, #tpu.memory_space<vmem_shared>>
        tpu.wait_indirect_dma semaphore(%arg16 : memref<!tpu.dma_semaphore, #tpu.memory_space<semaphore_mem>>) src(%arg8 : memref<64x128xf32, #tpu.memory_space<vmem>>) dst(%dma_wait3A_148 : memref<10000x128xf32, #tpu.memory_space<vmem_shared>>)
        %add3A_149 = arith.constant 4 : i32
        %add3A_150 = arith.addi %mul3A_82, %add3A_149 : i32
        %add3A_151 = arith.constant 0 : i32
        %add3A_152 = arith.addi %add3A_150, %add3A_151 : i32
        %lt3A = arith.constant 16 : i32
        %lt3A_153 = arith.cmpi slt, %add3A_152, %lt3A : i32
        %convert_element_type3A_154 = arith.extui %lt3A_153 : i1 to i32
        %cond3A_155 = arith.constant 0 : i32
        %cond3A_156 = arith.cmpi ne, %convert_element_type3A_154, %cond3A_155 : i32
        scf.if %cond3A_156 {
          %dma_start3A_205 = arith.constant 0 : i32
          %dma_start3A_206 = tpu.memref_slice %arg6[%add3A_152, %dma_start3A_205] : memref<16x64xi32, #tpu.memory_space<vmem>> -> memref<1x64xi32, #tpu.memory_space<vmem>>
          %dma_start3A_207 = tpu.memref_squeeze %dma_start3A_206 : memref<1x64xi32, #tpu.memory_space<vmem>> -> memref<64xi32, #tpu.memory_space<vmem>>
          %dma_start3A_208 = arith.constant 0 : i32
          %dma_start3A_209 = arith.constant 0 : i32
          %dma_start3A_210 = tpu.memref_slice %arg2[%dma_start3A_208, %dma_start3A_209] : memref<10128x128xf32, #tpu.memory_space<hbm>> -> memref<10128x128xf32, #tpu.memory_space<hbm>>
          tpu.enqueue_indirect_dma source(%dma_start3A_210 : memref<10128x128xf32, #tpu.memory_space<hbm>>) target(%arg8 : memref<64x128xf32, #tpu.memory_space<vmem>>) offsets(%dma_start3A_207 : memref<64xi32, #tpu.memory_space<vmem>>) semaphore(%arg12 : memref<!tpu.dma_semaphore, #tpu.memory_space<semaphore_mem>>)
        } else {
        }
        %dma_wait3A_157 = arith.constant 0 : i32
        %dma_wait3A_158 = arith.constant 0 : i32
        %dma_wait3A_159 = tpu.memref_slice %arg7[%dma_wait3A_157, %dma_wait3A_158] : memref<16x64xi32, #tpu.memory_space<vmem>> -> memref<1x64xi32, #tpu.memory_space<vmem>>
        %dma_wait3A_160 = tpu.memref_squeeze %dma_wait3A_159 : memref<1x64xi32, #tpu.memory_space<vmem>> -> memref<64xi32, #tpu.memory_space<vmem>>
        %dma_wait3A_161 = arith.constant 0 : i32
        %dma_wait3A_162 = arith.constant 0 : i32
        %dma_wait3A_163 = tpu.memref_slice %arg20[%dma_wait3A_161, %dma_wait3A_162] : memref<10000x128xf32, #tpu.memory_space<vmem_shared>> -> memref<10000x128xf32, #tpu.memory_space<vmem_shared>>
        tpu.wait_indirect_dma semaphore(%arg17 : memref<!tpu.dma_semaphore, #tpu.memory_space<semaphore_mem>>) src(%arg9 : memref<64x128xf32, #tpu.memory_space<vmem>>) dst(%dma_wait3A_163 : memref<10000x128xf32, #tpu.memory_space<vmem_shared>>)
        %add3A_164 = arith.constant 4 : i32
        %add3A_165 = arith.addi %mul3A_82, %add3A_164 : i32
        %add3A_166 = arith.constant 1 : i32
        %add3A_167 = arith.addi %add3A_165, %add3A_166 : i32
        %lt3A_168 = arith.constant 16 : i32
        %lt3A_169 = arith.cmpi slt, %add3A_167, %lt3A_168 : i32
        %convert_element_type3A_170 = arith.extui %lt3A_169 : i1 to i32
        %cond3A_171 = arith.constant 0 : i32
        %cond3A_172 = arith.cmpi ne, %convert_element_type3A_170, %cond3A_171 : i32
        scf.if %cond3A_172 {
          %dma_start3A_205 = arith.constant 0 : i32
          %dma_start3A_206 = tpu.memref_slice %arg6[%add3A_167, %dma_start3A_205] : memref<16x64xi32, #tpu.memory_space<vmem>> -> memref<1x64xi32, #tpu.memory_space<vmem>>
          %dma_start3A_207 = tpu.memref_squeeze %dma_start3A_206 : memref<1x64xi32, #tpu.memory_space<vmem>> -> memref<64xi32, #tpu.memory_space<vmem>>
          %dma_start3A_208 = arith.constant 0 : i32
          %dma_start3A_209 = arith.constant 0 : i32
          %dma_start3A_210 = tpu.memref_slice %arg2[%dma_start3A_208, %dma_start3A_209] : memref<10128x128xf32, #tpu.memory_space<hbm>> -> memref<10128x128xf32, #tpu.memory_space<hbm>>
          tpu.enqueue_indirect_dma source(%dma_start3A_210 : memref<10128x128xf32, #tpu.memory_space<hbm>>) target(%arg9 : memref<64x128xf32, #tpu.memory_space<vmem>>) offsets(%dma_start3A_207 : memref<64xi32, #tpu.memory_space<vmem>>) semaphore(%arg13 : memref<!tpu.dma_semaphore, #tpu.memory_space<semaphore_mem>>)
        } else {
        }
        %dma_wait3A_173 = arith.constant 0 : i32
        %dma_wait3A_174 = arith.constant 0 : i32
        %dma_wait3A_175 = tpu.memref_slice %arg7[%dma_wait3A_173, %dma_wait3A_174] : memref<16x64xi32, #tpu.memory_space<vmem>> -> memref<1x64xi32, #tpu.memory_space<vmem>>
        %dma_wait3A_176 = tpu.memref_squeeze %dma_wait3A_175 : memref<1x64xi32, #tpu.memory_space<vmem>> -> memref<64xi32, #tpu.memory_space<vmem>>
        %dma_wait3A_177 = arith.constant 0 : i32
        %dma_wait3A_178 = arith.constant 0 : i32
        %dma_wait3A_179 = tpu.memref_slice %arg20[%dma_wait3A_177, %dma_wait3A_178] : memref<10000x128xf32, #tpu.memory_space<vmem_shared>> -> memref<10000x128xf32, #tpu.memory_space<vmem_shared>>
        tpu.wait_indirect_dma semaphore(%arg18 : memref<!tpu.dma_semaphore, #tpu.memory_space<semaphore_mem>>) src(%arg10 : memref<64x128xf32, #tpu.memory_space<vmem>>) dst(%dma_wait3A_179 : memref<10000x128xf32, #tpu.memory_space<vmem_shared>>)
        %add3A_180 = arith.constant 4 : i32
        %add3A_181 = arith.addi %mul3A_82, %add3A_180 : i32
        %add3A_182 = arith.constant 2 : i32
        %add3A_183 = arith.addi %add3A_181, %add3A_182 : i32
        %lt3A_184 = arith.constant 16 : i32
        %lt3A_185 = arith.cmpi slt, %add3A_183, %lt3A_184 : i32
        %convert_element_type3A_186 = arith.extui %lt3A_185 : i1 to i32
        %cond3A_187 = arith.constant 0 : i32
        %cond3A_188 = arith.cmpi ne, %convert_element_type3A_186, %cond3A_187 : i32
        scf.if %cond3A_188 {
          %dma_start3A_205 = arith.constant 0 : i32
          %dma_start3A_206 = tpu.memref_slice %arg6[%add3A_183, %dma_start3A_205] : memref<16x64xi32, #tpu.memory_space<vmem>> -> memref<1x64xi32, #tpu.memory_space<vmem>>
          %dma_start3A_207 = tpu.memref_squeeze %dma_start3A_206 : memref<1x64xi32, #tpu.memory_space<vmem>> -> memref<64xi32, #tpu.memory_space<vmem>>
          %dma_start3A_208 = arith.constant 0 : i32
          %dma_start3A_209 = arith.constant 0 : i32
          %dma_start3A_210 = tpu.memref_slice %arg2[%dma_start3A_208, %dma_start3A_209] : memref<10128x128xf32, #tpu.memory_space<hbm>> -> memref<10128x128xf32, #tpu.memory_space<hbm>>
          tpu.enqueue_indirect_dma source(%dma_start3A_210 : memref<10128x128xf32, #tpu.memory_space<hbm>>) target(%arg10 : memref<64x128xf32, #tpu.memory_space<vmem>>) offsets(%dma_start3A_207 : memref<64xi32, #tpu.memory_space<vmem>>) semaphore(%arg14 : memref<!tpu.dma_semaphore, #tpu.memory_space<semaphore_mem>>)
        } else {
        }
        %dma_wait3A_189 = arith.constant 0 : i32
        %dma_wait3A_190 = arith.constant 0 : i32
        %dma_wait3A_191 = tpu.memref_slice %arg7[%dma_wait3A_189, %dma_wait3A_190] : memref<16x64xi32, #tpu.memory_space<vmem>> -> memref<1x64xi32, #tpu.memory_space<vmem>>
        %dma_wait3A_192 = tpu.memref_squeeze %dma_wait3A_191 : memref<1x64xi32, #tpu.memory_space<vmem>> -> memref<64xi32, #tpu.memory_space<vmem>>
        %dma_wait3A_193 = arith.constant 0 : i32
        %dma_wait3A_194 = arith.constant 0 : i32
        %dma_wait3A_195 = tpu.memref_slice %arg20[%dma_wait3A_193, %dma_wait3A_194] : memref<10000x128xf32, #tpu.memory_space<vmem_shared>> -> memref<10000x128xf32, #tpu.memory_space<vmem_shared>>
        tpu.wait_indirect_dma semaphore(%arg19 : memref<!tpu.dma_semaphore, #tpu.memory_space<semaphore_mem>>) src(%arg11 : memref<64x128xf32, #tpu.memory_space<vmem>>) dst(%dma_wait3A_195 : memref<10000x128xf32, #tpu.memory_space<vmem_shared>>)
        %add3A_196 = arith.constant 4 : i32
        %add3A_197 = arith.addi %mul3A_82, %add3A_196 : i32
        %add3A_198 = arith.constant 3 : i32
        %add3A_199 = arith.addi %add3A_197, %add3A_198 : i32
        %lt3A_200 = arith.constant 16 : i32
        %lt3A_201 = arith.cmpi slt, %add3A_199, %lt3A_200 : i32
        %convert_element_type3A_202 = arith.extui %lt3A_201 : i1 to i32
        %cond3A_203 = arith.constant 0 : i32
        %cond3A_204 = arith.cmpi ne, %convert_element_type3A_202, %cond3A_203 : i32
        scf.if %cond3A_204 {
          %dma_start3A_205 = arith.constant 0 : i32
          %dma_start3A_206 = tpu.memref_slice %arg6[%add3A_199, %dma_start3A_205] : memref<16x64xi32, #tpu.memory_space<vmem>> -> memref<1x64xi32, #tpu.memory_space<vmem>>
          %dma_start3A_207 = tpu.memref_squeeze %dma_start3A_206 : memref<1x64xi32, #tpu.memory_space<vmem>> -> memref<64xi32, #tpu.memory_space<vmem>>
          %dma_start3A_208 = arith.constant 0 : i32
          %dma_start3A_209 = arith.constant 0 : i32
          %dma_start3A_210 = tpu.memref_slice %arg2[%dma_start3A_208, %dma_start3A_209] : memref<10128x128xf32, #tpu.memory_space<hbm>> -> memref<10128x128xf32, #tpu.memory_space<hbm>>
          tpu.enqueue_indirect_dma source(%dma_start3A_210 : memref<10128x128xf32, #tpu.memory_space<hbm>>) target(%arg11 : memref<64x128xf32, #tpu.memory_space<vmem>>) offsets(%dma_start3A_207 : memref<64xi32, #tpu.memory_space<vmem>>) semaphore(%arg15 : memref<!tpu.dma_semaphore, #tpu.memory_space<semaphore_mem>>)
        } else {
        }
      }
      %scan3A_75 = arith.constant 4 : i32
    }
    %barrier3A_30 = arith.constant 0 : index
    tpu.barrier barrier_id(%barrier3A_30)
    %mul3A_31 = arith.constant 624 : i32
    %mul3A_32 = arith.muli %arg1, %mul3A_31 : i32
    "tpu.region"() ({
      %run_scoped3A = tpu.sem_alloc : memref<!tpu.dma_semaphore, #tpu.memory_space<semaphore_mem>>
      %dma_start3A = arith.constant 0 : i32
      %dma_start3A_38 = arith.constant 0 : i32
      %dma_start3A_39 = tpu.memref_slice %arg5[%arg0, %dma_start3A, %dma_start3A_38] : memref<2x10000x128xf32, #tpu.memory_space<hbm>> -> memref<1x10000x128xf32, #tpu.memory_space<hbm>>
      %dma_start3A_40 = tpu.memref_squeeze %dma_start3A_39 : memref<1x10000x128xf32, #tpu.memory_space<hbm>> -> memref<10000x128xf32, #tpu.memory_space<hbm>>
      %dma_start3A_41 = arith.constant 0 : i32
      %dma_start3A_42 = tpu.memref_slice %dma_start3A_40[%mul3A_32, %dma_start3A_41] : memref<10000x128xf32, #tpu.memory_space<hbm>> -> memref<624x128xf32, #tpu.memory_space<hbm>>
      %dma_start3A_43 = arith.constant 0 : i32
      %dma_start3A_44 = tpu.memref_slice %arg20[%mul3A_32, %dma_start3A_43] : memref<10000x128xf32, #tpu.memory_space<vmem_shared>> -> memref<624x128xf32, #tpu.memory_space<vmem_shared>>
      tpu.enqueue_dma source(%dma_start3A_44 : memref<624x128xf32, #tpu.memory_space<vmem_shared>>) target(%dma_start3A_42 : memref<624x128xf32, #tpu.memory_space<hbm>>) target_semaphore(%run_scoped3A : memref<!tpu.dma_semaphore, #tpu.memory_space<semaphore_mem>>)
      %dma_wait3A = arith.constant 0 : i32
      %dma_wait3A_45 = arith.constant 0 : i32
      %dma_wait3A_46 = tpu.memref_slice %arg5[%arg0, %dma_wait3A, %dma_wait3A_45] : memref<2x10000x128xf32, #tpu.memory_space<hbm>> -> memref<1x10000x128xf32, #tpu.memory_space<hbm>>
      %dma_wait3A_47 = tpu.memref_squeeze %dma_wait3A_46 : memref<1x10000x128xf32, #tpu.memory_space<hbm>> -> memref<10000x128xf32, #tpu.memory_space<hbm>>
      %dma_wait3A_48 = arith.constant 0 : i32
      %dma_wait3A_49 = tpu.memref_slice %dma_wait3A_47[%mul3A_32, %dma_wait3A_48] : memref<10000x128xf32, #tpu.memory_space<hbm>> -> memref<624x128xf32, #tpu.memory_space<hbm>>
      %dma_wait3A_50 = arith.constant 0 : i32
      %dma_wait3A_51 = tpu.memref_slice %arg20[%mul3A_32, %dma_wait3A_50] : memref<10000x128xf32, #tpu.memory_space<vmem_shared>> -> memref<624x128xf32, #tpu.memory_space<vmem_shared>>
      tpu.wait_dma2 semaphore(%run_scoped3A : memref<!tpu.dma_semaphore, #tpu.memory_space<semaphore_mem>>) src(%dma_wait3A_51 : memref<624x128xf32, #tpu.memory_space<vmem_shared>>) dst(%dma_wait3A_49 : memref<624x128xf32, #tpu.memory_space<hbm>>)
      tpu.yield
    }) : () -> ()
    %eq3A_33 = arith.constant 15 : i32
    %eq3A_34 = arith.cmpi eq, %arg1, %eq3A_33 : i32
    %convert_element_type3A_35 = arith.extui %eq3A_34 : i1 to i32
    %cond3A_36 = arith.constant 0 : i32
    %cond3A_37 = arith.cmpi ne, %convert_element_type3A_35, %cond3A_36 : i32
    scf.if %cond3A_37 {
      "tpu.region"() ({
        %run_scoped3A = tpu.sem_alloc : memref<!tpu.dma_semaphore, #tpu.memory_space<semaphore_mem>>
        %dma_start3A = arith.constant 0 : i32
        %dma_start3A_38 = arith.constant 0 : i32
        %dma_start3A_39 = tpu.memref_slice %arg5[%arg0, %dma_start3A, %dma_start3A_38] : memref<2x10000x128xf32, #tpu.memory_space<hbm>> -> memref<1x10000x128xf32, #tpu.memory_space<hbm>>
        %dma_start3A_40 = tpu.memref_squeeze %dma_start3A_39 : memref<1x10000x128xf32, #tpu.memory_space<hbm>> -> memref<10000x128xf32, #tpu.memory_space<hbm>>
        %dma_start3A_41 = arith.constant 9984 : i32
        %dma_start3A_42 = arith.constant 0 : i32
        %dma_start3A_43 = tpu.memref_slice %dma_start3A_40[%dma_start3A_41, %dma_start3A_42] : memref<10000x128xf32, #tpu.memory_space<hbm>> -> memref<16x128xf32, #tpu.memory_space<hbm>>
        %dma_start3A_44 = arith.constant 9984 : i32
        %dma_start3A_45 = arith.constant 0 : i32
        %dma_start3A_46 = tpu.memref_slice %arg20[%dma_start3A_44, %dma_start3A_45] : memref<10000x128xf32, #tpu.memory_space<vmem_shared>> -> memref<16x128xf32, #tpu.memory_space<vmem_shared>>
        tpu.enqueue_dma source(%dma_start3A_46 : memref<16x128xf32, #tpu.memory_space<vmem_shared>>) target(%dma_start3A_43 : memref<16x128xf32, #tpu.memory_space<hbm>>) target_semaphore(%run_scoped3A : memref<!tpu.dma_semaphore, #tpu.memory_space<semaphore_mem>>)
        %dma_wait3A = arith.constant 0 : i32
        %dma_wait3A_47 = arith.constant 0 : i32
        %dma_wait3A_48 = tpu.memref_slice %arg5[%arg0, %dma_wait3A, %dma_wait3A_47] : memref<2x10000x128xf32, #tpu.memory_space<hbm>> -> memref<1x10000x128xf32, #tpu.memory_space<hbm>>
        %dma_wait3A_49 = tpu.memref_squeeze %dma_wait3A_48 : memref<1x10000x128xf32, #tpu.memory_space<hbm>> -> memref<10000x128xf32, #tpu.memory_space<hbm>>
        %dma_wait3A_50 = arith.constant 9984 : i32
        %dma_wait3A_51 = arith.constant 0 : i32
        %dma_wait3A_52 = tpu.memref_slice %dma_wait3A_49[%dma_wait3A_50, %dma_wait3A_51] : memref<10000x128xf32, #tpu.memory_space<hbm>> -> memref<16x128xf32, #tpu.memory_space<hbm>>
        %dma_wait3A_53 = arith.constant 9984 : i32
        %dma_wait3A_54 = arith.constant 0 : i32
        %dma_wait3A_55 = tpu.memref_slice %arg20[%dma_wait3A_53, %dma_wait3A_54] : memref<10000x128xf32, #tpu.memory_space<vmem_shared>> -> memref<16x128xf32, #tpu.memory_space<vmem_shared>>
        tpu.wait_dma2 semaphore(%run_scoped3A : memref<!tpu.dma_semaphore, #tpu.memory_space<semaphore_mem>>) src(%dma_wait3A_55 : memref<16x128xf32, #tpu.memory_space<vmem_shared>>) dst(%dma_wait3A_52 : memref<16x128xf32, #tpu.memory_space<hbm>>)
        tpu.yield
      }) : () -> ()
    } else {
    }
    return
  }
}

module attributes {stable_mosaic.version = 14 : i64} {
  func.func @_dis_body(%arg0: memref<32x10000xf32, #tpu.memory_space<vmem>>, %arg1: memref<10000x1xf32, #tpu.memory_space<vmem>>) attributes {dimension_semantics = [], scalar_prefetch = 0 : i64, scratch_operands = 0 : i64, tpu.core_type = #tpu.core_type<tc>} {
    %get3A = arith.constant 0 : index
    %get3A_0 = arith.constant 0 : index
    %get3A_1 = vector.load %arg0[%get3A, %get3A_0] : memref<32x10000xf32, #tpu.memory_space<vmem>>, vector<32x10000xf32>
    %reduce_sum3A = arith.constant dense<0.000000e+00> : vector<10000xf32>
    %reduce_sum3A_2 = vector.multi_reduction <add>, %get3A_1, %reduce_sum3A [0] : vector<32x10000xf32> to vector<10000xf32>
    %broadcast_in_dim3A = vector.shape_cast %reduce_sum3A_2 : vector<10000xf32> to vector<1x10000xf32>
    %add3A = arith.constant 1.000000e+00 : f32
    %add3A_3 = vector.broadcast %add3A : f32 to vector<1x10000xf32>
    %add3A_4 = arith.addf %broadcast_in_dim3A, %add3A_3 : vector<1x10000xf32>
    %rsqrt3A = math.rsqrt %add3A_4 : vector<1x10000xf32>
    %transpose3A = tpu.transpose %rsqrt3A, [1, 0] : vector<1x10000xf32> -> vector<10000x1xf32>
    %swap3A = arith.constant 0 : index
    %swap3A_5 = arith.constant 0 : index
    %swap3A_6 = vector.load %arg1[%swap3A, %swap3A_5] : memref<10000x1xf32, #tpu.memory_space<vmem>>, vector<10000x1xf32>
    tpu.vector_store %arg1[%swap3A, %swap3A_5], %transpose3A {strides = array<i32>} : memref<10000x1xf32, #tpu.memory_space<vmem>>, vector<10000x1xf32>,
    return
  }
}

module attributes {stable_mosaic.version = 14 : i64} {
  func.func @_linear_body(%arg0: i32, %arg1: memref<1000x128xf32, #tpu.memory_space<vmem>>, %arg2: memref<128x128xf32, #tpu.memory_space<vmem>>, %arg3: memref<1000x1xf32, #tpu.memory_space<vmem>>, %arg4: memref<1000x128xf32, #tpu.memory_space<vmem>>) attributes {dimension_semantics = [#tpu.dimension_semantics<arbitrary>], iteration_bounds = array<i64: 10>, scalar_prefetch = 0 : i64, scratch_operands = 0 : i64, tpu.core_type = #tpu.core_type<tc>, window_params = [{transform_indices = @transform_0, window_bounds = array<i64: 1000, 128>}, {pipeline_mode = #tpu.pipeline_mode<synchronous>, transform_indices = @transform_1, window_bounds = array<i64: 128, 128>}, {transform_indices = @transform_2, window_bounds = array<i64: 1000, 1>}, {transform_indices = @transform_3, window_bounds = array<i64: 1000, 128>}]} {
    %get3A = arith.constant 0 : index
    %get3A_0 = arith.constant 0 : index
    %get3A_1 = vector.load %arg3[%get3A, %get3A_0] : memref<1000x1xf32, #tpu.memory_space<vmem>>, vector<1000x1xf32>
    %get3A_2 = arith.constant 0 : index
    %get3A_3 = arith.constant 0 : index
    %get3A_4 = vector.load %arg1[%get3A_2, %get3A_3] : memref<1000x128xf32, #tpu.memory_space<vmem>>, vector<1000x128xf32>
    %get3A_5 = arith.constant 0 : index
    %get3A_6 = arith.constant 0 : index
    %get3A_7 = vector.load %arg2[%get3A_5, %get3A_6] : memref<128x128xf32, #tpu.memory_space<vmem>>, vector<128x128xf32>
    %dot_general3A = arith.constant dense<0.000000e+00> : vector<1000x128xf32>
    %dot_general3A_8 = tpu.matmul %get3A_4, %get3A_7, %dot_general3A {dimension_numbers = #tpu.dot_dimension_numbers<[1], [0], [0], [1], [0, 0, 1, 1], [], []>, transpose_lhs_hint = false} : vector<1000x128xf32>, vector<128x128xf32>, vector<1000x128xf32> -> vector<1000x128xf32>
    %mul3A = vector.broadcast %get3A_1 : vector<1000x1xf32> to vector<1000x128xf32>
    %mul3A_9 = arith.mulf %mul3A, %dot_general3A_8 : vector<1000x128xf32>
    %swap3A = arith.constant 0 : index
    %swap3A_10 = arith.constant 0 : index
    %swap3A_11 = vector.load %arg4[%swap3A, %swap3A_10] : memref<1000x128xf32, #tpu.memory_space<vmem>>, vector<1000x128xf32>
    tpu.vector_store %arg4[%swap3A, %swap3A_10], %mul3A_9 {strides = array<i32>} : memref<1000x128xf32, #tpu.memory_space<vmem>>, vector<1000x128xf32>,
    return
  }
  func.func @transform_0(%arg0: i32) -> (i32, i32) {
    %c0_i32 = arith.constant 0 : i32
    %c0_i32_0 = arith.constant 0 : i32
    return %arg0, %c0_i32 : i32, i32
  }
  func.func @transform_1(%arg0: i32) -> (i32, i32) {
    %c0_i32 = arith.constant 0 : i32
    %c0_i32_0 = arith.constant 0 : i32
    %c0_i32_1 = arith.constant 0 : i32
    return %c0_i32, %c0_i32_0 : i32, i32
  }
  func.func @transform_2(%arg0: i32) -> (i32, i32) {
    %c0_i32 = arith.constant 0 : i32
    %c0_i32_0 = arith.constant 0 : i32
    return %arg0, %c0_i32 : i32, i32
  }
  func.func @transform_3(%arg0: i32) -> (i32, i32) {
    %c0_i32 = arith.constant 0 : i32
    %c0_i32_0 = arith.constant 0 : i32
    return %arg0, %c0_i32 : i32, i32
  }
}

module attributes {stable_mosaic.version = 14 : i64} {
  func.func @_epilogue_body(%arg0: i32, %arg1: memref<2x1000x128xf32, #tpu.memory_space<vmem>>, %arg2: memref<1000x128xf32, #tpu.memory_space<vmem>>, %arg3: memref<1x128xf32, #tpu.memory_space<vmem>>, %arg4: memref<1000x1xf32, #tpu.memory_space<vmem>>, %arg5: memref<1000x128xf32, #tpu.memory_space<vmem>>, %arg6: memref<1000x128xf32, #tpu.memory_space<vmem>>) attributes {dimension_semantics = [#tpu.dimension_semantics<arbitrary>], iteration_bounds = array<i64: 10>, scalar_prefetch = 0 : i64, scratch_operands = 0 : i64, tpu.core_type = #tpu.core_type<tc>, window_params = [{transform_indices = @transform_0, window_bounds = array<i64: 2, 1000, 128>}, {transform_indices = @transform_1, window_bounds = array<i64: 1000, 128>}, {pipeline_mode = #tpu.pipeline_mode<synchronous>, transform_indices = @transform_2, window_bounds = array<i64: 1, 128>}, {transform_indices = @transform_3, window_bounds = array<i64: 1000, 1>}, {transform_indices = @transform_4, window_bounds = array<i64: 1000, 128>}, {transform_indices = @transform_5, window_bounds = array<i64: 1000, 128>}]} {
    %get3A = arith.constant 0 : index
    %get3A_0 = arith.constant 0 : index
    %get3A_1 = arith.constant 0 : index
    %get3A_2 = vector.load %arg1[%get3A, %get3A_0, %get3A_1] : memref<2x1000x128xf32, #tpu.memory_space<vmem>>, vector<1x1000x128xf32>
    %get3A_3 = vector.shape_cast %get3A_2 : vector<1x1000x128xf32> to vector<1000x128xf32>
    %get3A_4 = arith.constant 1 : index
    %get3A_5 = arith.constant 0 : index
    %get3A_6 = arith.constant 0 : index
    %get3A_7 = vector.load %arg1[%get3A_4, %get3A_5, %get3A_6] : memref<2x1000x128xf32, #tpu.memory_space<vmem>>, vector<1x1000x128xf32>
    %get3A_8 = vector.shape_cast %get3A_7 : vector<1x1000x128xf32> to vector<1000x128xf32>
    %add3A = arith.addf %get3A_3, %get3A_8 : vector<1000x128xf32>
    %get3A_9 = arith.constant 0 : index
    %get3A_10 = arith.constant 0 : index
    %get3A_11 = vector.load %arg5[%get3A_9, %get3A_10] : memref<1000x128xf32, #tpu.memory_space<vmem>>, vector<1000x128xf32>
    %add3A_12 = arith.addf %add3A, %get3A_11 : vector<1000x128xf32>
    %get3A_13 = arith.constant 0 : index
    %get3A_14 = arith.constant 0 : index
    %get3A_15 = vector.load %arg4[%get3A_13, %get3A_14] : memref<1000x1xf32, #tpu.memory_space<vmem>>, vector<1000x1xf32>
    %mul3A = vector.broadcast %get3A_15 : vector<1000x1xf32> to vector<1000x128xf32>
    %mul3A_16 = arith.mulf %mul3A, %add3A_12 : vector<1000x128xf32>
    %get3A_17 = arith.constant 0 : index
    %get3A_18 = arith.constant 0 : index
    %get3A_19 = vector.load %arg3[%get3A_17, %get3A_18] : memref<1x128xf32, #tpu.memory_space<vmem>>, vector<1x128xf32>
    %add3A_20 = vector.broadcast %get3A_19 : vector<1x128xf32> to vector<1000x128xf32>
    %add3A_21 = arith.addf %mul3A_16, %add3A_20 : vector<1000x128xf32>
    %max3A = arith.constant 0.000000e+00 : f32
    %max3A_22 = vector.broadcast %max3A : f32 to vector<1000x128xf32>
    %max3A_23 = arith.maximumf %add3A_21, %max3A_22 : vector<1000x128xf32>
    %get3A_24 = arith.constant 0 : index
    %get3A_25 = arith.constant 0 : index
    %get3A_26 = vector.load %arg2[%get3A_24, %get3A_25] : memref<1000x128xf32, #tpu.memory_space<vmem>>, vector<1000x128xf32>
    %add3A_27 = arith.addf %max3A_23, %get3A_26 : vector<1000x128xf32>
    %swap3A = arith.constant 0 : index
    %swap3A_28 = arith.constant 0 : index
    %swap3A_29 = vector.load %arg6[%swap3A, %swap3A_28] : memref<1000x128xf32, #tpu.memory_space<vmem>>, vector<1000x128xf32>
    tpu.vector_store %arg6[%swap3A, %swap3A_28], %add3A_27 {strides = array<i32>} : memref<1000x128xf32, #tpu.memory_space<vmem>>, vector<1000x128xf32>,
    return
  }
  func.func @transform_0(%arg0: i32) -> (i32, i32, i32) {
    %c0_i32 = arith.constant 0 : i32
    %c0_i32_0 = arith.constant 0 : i32
    %c0_i32_1 = arith.constant 0 : i32
    return %c0_i32, %arg0, %c0_i32_0 : i32, i32, i32
  }
  func.func @transform_1(%arg0: i32) -> (i32, i32) {
    %c0_i32 = arith.constant 0 : i32
    %c0_i32_0 = arith.constant 0 : i32
    return %arg0, %c0_i32 : i32, i32
  }
  func.func @transform_2(%arg0: i32) -> (i32, i32) {
    %c0_i32 = arith.constant 0 : i32
    %c0_i32_0 = arith.constant 0 : i32
    %c0_i32_1 = arith.constant 0 : i32
    return %c0_i32, %c0_i32_0 : i32, i32
  }
  func.func @transform_3(%arg0: i32) -> (i32, i32) {
    %c0_i32 = arith.constant 0 : i32
    %c0_i32_0 = arith.constant 0 : i32
    return %arg0, %c0_i32 : i32, i32
  }
  func.func @transform_4(%arg0: i32) -> (i32, i32) {
    %c0_i32 = arith.constant 0 : i32
    %c0_i32_0 = arith.constant 0 : i32
    return %arg0, %c0_i32 : i32, i32
  }
  func.func @transform_5(%arg0: i32) -> (i32, i32) {
    %c0_i32 = arith.constant 0 : i32
    %c0_i32_0 = arith.constant 0 : i32
    return %arg0, %c0_i32 : i32, i32
  }
}

</mosaic_0001>

<sc_bundles>
// kernel: kernel.10.cloned.1.call-start
scs
__scs_entry_jumppad:
0x0: {  	(pc) =	sbr.rel $0x88, $3  }
0x1: {  	(tag) =	ssettag $0x0;
	lr =	simm.s32 $0x1  }
0x2: {  	[smem:$0x3F9D] =	sst lr;
	_ =	strace $0xD0000000  }
0x3: {  	_ = 	snop  }
0x4: {  	_ = 	snop  }
0x5: {  	_ = 	snop  }
0x6: {  	_ = 	snop  }
0x7: {  	_ = 	snop  }
__scs_overlays_trampoline_lowered:
0x8: {  	[smem:$0x3FAC] =	sst s0  }
0x9: {  	[smem:$0x3FAD] =	sst s1  }
0xa: {  	[smem:$0x3FAE] =	sst s2  }
0xb: {  	[smem:$0x3FAF] =	sst s3  }
0xc: {  	[smem:$0x3FB0] =	sst s4  }
0xd: {  	[smem:$0x3FB1] =	sst s5  }
0xe: {  	[smem:$0x3FB2] =	sst s6  }
0xf: {  	[smem:$0x3FB3] =	sst s7  }
0x10: {  	[smem:$0x3FB4] =	sst s8  }
0x11: {  	[smem:$0x3FB5] =	sst s9;
	s0 =	simm.s32 @!p0 $0x0  }
0x12: {  	s1 =	sld [smem:$0x3F9B];
	s0 =	simm.s32 @p0 $0x1  }
0x13: {  	[smem:$0x3FB6] =	sst s0;
	s0 =	simm.s32 @!p1 $0x0  }
0x14: {  	s2 =	sld [smem:$0x3F9A];
	s0 =	simm.s32 @p1 $0x1  }
0x15: {  	[smem:$0x3FB7] =	sst s0;
	s0 =	simm.s32 @!p2 $0x0  }
0x16: {  	s3 =	sld [smem:$0x3FDB];
	s0 =	simm.s32 @p2 $0x1  }
0x17: {  	s4 =	simm.s32 $0x1BF5;
	[smem:$0x3FB9] =	sst s0  }
0x18: {  	s0 =	sld [smem:$0x3F9C];
	_ =	swait.ge [sflag:s4], $0x0  }
0x19: {  	s7 =	sld [smem:$0x3F9D]  }
0x1a: {  	s8 =	sadd.s32 $0xFFFFE003, lr  }
0x1b: {  	s9 =	sadd.s32 $0xFFFFFEF7, lr;
	s5 =	simm.s32 $0xFFFFFFFF;
	p2 =	slt.u32 s8, $0xFFFFF086  }
0x1c: {  	p1 =	slt.u32 s9, $0xF7A;
	s5 =	simm.s32 @!p2 $0x0  }
0x1d: {  	s5 =	simm.s32 @p1 $0x1;
	p0 =	seq.s32 s7, s2  }
0x1e: {  	s7 =	smul.u32 @!p0 $0xF7A, s2;
	p2 =	seq.s32 @!p0 s5, $0x0  }
0x1f: {  	s9 =	smul.u32 $0xF7A, s1;
	s8 =	simm.s32 @!p0 $0x1BF5;
	p2 =	por !p2, p0  }
0x20: {  	[sflag:s8] =	ssyncset.s32 @!p0 $0xFFFFF086;
	s6 =	sadd.s32 @!p0 s3, s7;
	s7 =	simm.s32 @!p0 $0x108  }
0x21: {  	s3 =	sadd.s32 s3, s9;
	s6 =	sadd.s32 @!p0 $0x88, s6;
	s7 =	simm.s32 @p2 $0x1082  }
0x22: {  	[simem:s7], [sflag:s8] =	dma.local @!p0 [hbm:s6], $0xF7A  }
0x23: {  	s9 =	sor.u32 $0xD0000000, s2;
	s6 =	simm.s32 $0x108;
	_ =	swait.ge @!p0 [sflag:s8], $0x0  }
0x24: {  	s3 =	sadd.s32 $0x88, s3;
	s6 =	simm.s32 @!p1 $0x1082;
	[sflag:s4] =	ssyncset.s32 $0xFFFFF086  }
0x25: {  	[simem:s6], [sflag:s4] =	dma.local [hbm:s3], $0xF7A  }
0x26: {  	[smem:$0x3F9D] =	sst s1;
	(tag) =	ssettag s2;
	_ =	strace s9  }
0x27: {  	s1 =	sld [smem:$0x3FAD]  }
0x28: {  	s2 =	sld [smem:$0x3FAE]  }
0x29: {  	s4 =	sld [smem:$0x3FB0]  }
0x2a: {  	p0 =	seq.s32 s5, $0x0;
	s5 =	sld [smem:$0x3FB1]  }
0x2b: {  	s6 =	sld [smem:$0x3FB2]  }
0x2c: {  	s7 =	sld [smem:$0x3FB3]  }
0x2d: {  	s3 =	simm.s32 $0x108;
	s8 =	sld [smem:$0x3FB4]  }
0x2e: {  	s3 =	simm.s32 @!p0 $0x1082;
	s9 =	sld [smem:$0x3FB5]  }
0x2f: {  	lr =	sadd.s32 s0, s3;
	s0 =	sld [smem:$0x3FAC]  }
0x30: {  	s3 =	sld [smem:$0x3FAF]  }
0x31: {  	[smem:$0x3FB8] =	sst s10  }
0x32: {  	s10 =	sld [smem:$0x3FB6];
	_ =	sdelay $0x3  }
0x33: {  	p0 =	seq.s32 s10, $0x1;
	s10 =	sld [smem:$0x3FB8];
	_ =	sdelay $0x3  }
0x34: {  	[smem:$0x3FB8] =	sst s10  }
0x35: {  	s10 =	sld [smem:$0x3FB7];
	_ =	sdelay $0x3  }
0x36: {  	p1 =	seq.s32 s10, $0x1;
	s10 =	sld [smem:$0x3FB8];
	_ =	sdelay $0x3  }
0x37: {  	[smem:$0x3FB8] =	sst s10  }
0x38: {  	s10 =	sld [smem:$0x3FB9]  }
0x39: {  	_ = 	snop;
	(pc) =	sbr.ind lr, $3  }
0x3a: {  	_ = 	snop  }
0x3b: {  	_ = 	snop  }
0x3c: {  	p2 =	seq.s32 s10, $0x1;
	s10 =	sld [smem:$0x3FB8]  }
0x3d: {  	_ =	shalt  }
0x3e: {  	_ =	shalt  }
0x3f: {  	_ =	shalt  }
0x40: {  	_ =	shalt  }
0x41: {  	_ =	shalt  }
0x42: {  	_ =	shalt  }
0x43: {  	_ =	shalt  }
0x44: {  	_ =	shalt  }
0x45: {  	_ =	shalt  }
0x46: {  	_ =	shalt  }
0x47: {  	_ =	shalt  }
0x48: {  	_ =	shalt  }
0x49: {  	_ =	shalt  }
0x4a: {  	_ =	shalt  }
0x4b: {  	_ =	shalt  }
0x4c: {  	_ =	shalt  }
0x4d: {  	_ =	shalt  }
0x4e: {  	_ =	shalt  }
0x4f: {  	_ =	shalt  }
0x50: {  	_ =	shalt  }
0x51: {  	_ =	shalt  }
0x52: {  	_ =	shalt  }
0x53: {  	_ =	shalt  }
0x54: {  	_ =	shalt  }
0x55: {  	_ =	shalt  }
0x56: {  	_ =	shalt  }
0x57: {  	_ =	shalt  }
0x58: {  	_ =	shalt  }
0x59: {  	_ =	shalt  }
0x5a: {  	_ =	shalt  }
0x5b: {  	_ =	shalt  }
0x5c: {  	_ =	shalt  }
0x5d: {  	_ =	shalt  }
0x5e: {  	_ =	shalt  }
0x5f: {  	_ =	shalt  }
0x60: {  	_ =	shalt  }
0x61: {  	_ =	shalt  }
0x62: {  	_ =	shalt  }
0x63: {  	_ =	shalt  }
0x64: {  	_ =	shalt  }
0x65: {  	_ =	shalt  }
0x66: {  	_ =	shalt  }
0x67: {  	_ =	shalt  }
0x68: {  	_ =	shalt  }
0x69: {  	_ =	shalt  }
0x6a: {  	_ =	shalt  }
0x6b: {  	_ =	shalt  }
0x6c: {  	_ =	shalt  }
0x6d: {  	_ =	shalt  }
0x6e: {  	_ =	shalt  }
0x6f: {  	_ =	shalt  }
0x70: {  	_ =	shalt  }
0x71: {  	_ =	shalt  }
0x72: {  	_ =	shalt  }
0x73: {  	_ =	shalt  }
0x74: {  	_ =	shalt  }
0x75: {  	_ =	shalt  }
0x76: {  	_ =	shalt  }
0x77: {  	_ =	shalt  }
0x78: {  	_ =	shalt  }
0x79: {  	_ =	shalt  }
0x7a: {  	_ =	shalt  }
0x7b: {  	_ =	shalt  }
0x7c: {  	_ =	shalt  }
0x7d: {  	_ =	shalt  }
0x7e: {  	_ =	shalt  }
0x7f: {  	_ =	shalt  }
0x80: {  	_ =	shalt  }
0x81: {  	_ =	shalt  }
0x82: {  	_ =	shalt  }
0x83: {  	_ =	shalt  }
0x84: {  	_ =	shalt  }
0x85: {  	_ =	shalt  }
0x86: {  	_ =	shalt  }
0x87: {  	_ =	shalt  }
.Lfunc_end0:
.L_simem_size_0:
called_computation.1_lowered:
.L_overlay_start_0:
0x88: {  	s2 =	sld [smem:$0x3FD9]  }
0x89: {  	s3 =	sld [smem:$0x3FFE];
	_ =	sdelay $0x1  }
0x8a: {  	s1 =	srdreg.scid  }
0x8b: {  	s0 =	sand.u32 $0x1, s1  }
0x8c: {  	s14 =	sshll.u32 s0, $0xA;
	s2 =	sadd.s32 s3, s2  }
0x8d: {  	s2 =	sadd.s32 s2, s14  }
0x8e: {  	[smem:$0x3FC4] =	sst s2  }
0x8f: {  	_ = 	snop  }
0x90: {  	s2 =	sld [smem:$0x3FD0];
	_ =	sdelay $0x2  }
0x91: {  	s15 =	simm.s32 $0xA;
	s4 =	simm.s32 $0x10  }
0x92: {  	[smem:s4], [sflag:s15] =	dma.local [hbm:s2], $0x1  }
0x93: {  	_ =	swait.eq [sflag:s15], $0x1  }
0x94: {  	[sflag:s15] =	ssyncset.done $0x0  }
0x95: {  	[sflag:s15] =	ssyncadd.s32 $0xFFFFFFFF  }
0x96: {  	s16 =	sld [smem:$0x10];
	(tm) =	ssettm $0x1  }
0x97: {  	s17 =	sld [smem:$0x3FFB];
	_ =	sdelay $0x3  }
0x98: {  	_ =	strace s17  }
0x99: {  	s3 =	sld [smem:$0x3FFC];
	_ =	sdelay $0x3  }
0x9a: {  	_ =	strace s3  }
0x9b: {  	s3 =	sld [smem:$0x3FFD];
	_ =	sdelay $0x3  }
0x9c: {  	_ =	strace s3  }
0x9d: {  	_ =	strace $0x8FFFFFFF  }
0x9e: {  	s18 =	sld [smem:$0x3FDB];
	_ =	sdelay $0x1  }
0x9f: {  	s19 =	simm.s32 $_scs_section_size  }
0xa0: {  	s5 =	simm.s32 $_size__tile_overlayer_lowered;
	s6 =	simm.s32 $_tile_overlayer_lowered  }
0xa1: {  	s22 =	simm.s32 $0x1BFF;
	s21 =	sshll.u32 s6, $0x1;
	s3 =	sadd.s32 s19, s18  }
0xa2: {  	s7 =	simm.s32 $0x0;
	s20 =	sshll.u32 s5, $0x1;
	s5 =	sadd.s32 s21, s3  }
0xa3: {  	[timem:s7], [sflag:s22] =	dma.local [hbm:s5], s20  }
0xa4: {  	_ =	swait.ge [sflag:s22], s20  }
0xa5: {  	s4 =	ssub.s32 $0x0, s20;
	[sflag:s22] =	ssyncset.done $0x0  }
0xa6: {  	[sflag:s22] =	ssyncadd.s32 s4;
	_ =	sdelay $0x1  }
0xa7: {  	s23 =	simm.s32 $0x1B8B  }
0xa8: {  	_ =	swait.ge [sflag:s23], $0x1  }
0xa9: {  	[sflag:s23] =	ssyncset.done $0x0  }
0xaa: {  	s25 =	simm.s32 $0x1B8E;
	s24 =	sld [smem:$0x3FFE];
	[sflag:s23] =	ssyncadd.s32 $0xFFFFFFFF  }
0xab: {  	s26 =	simm.s32 $execute0_lowered;
	[smem:$0x3FD2] =	sst s25  }
0xac: {  	s5 =	sshll.u32 s26, $0x1;
	_ =	strace $0x80000049;
	[dreg:$0x1] =	wrdreg $0xFFFFFFFF  }
0xad: {  	s28 =	simm.s32 $_size_execute0_lowered;
	s3 =	sadd.s32 s3, s5;
	[dreg:$0x0] =	wrdreg $0x0  }
0xae: {  	s5 =	sshll.u32 s28, $0x1;
	[dreg:$0x2] =	wrdreg s3  }
0xaf: {  	[dreg:$0x3] =	wrdreg s5  }
0xb0: {  	[dreg:$0x4] =	wrdreg $0xC0  }
0xb1: {  	_ =	task [dreg:s7], $0x5FFFF  }
0xb2: {  	[dreg:$0x1] =	wrdreg $0xFFFFFFFF  }
0xb3: {  	[dreg:$0x0] =	wrdreg $0x60  }
0xb4: {  	[dreg:$0x2] =	wrdreg s24  }
0xb5: {  	[dreg:$0x3] =	wrdreg s16  }
0xb6: {  	[dreg:$0x4] =	wrdreg $0x90000  }
0xb7: {  	[dreg:$0x5] =	wrdreg $0x9  }
0xb8: {  	_ =	task.clear_ibuf [dreg:s7], $0x6FFFF;
	_ =	strace $0x90000049  }
0xb9: {  	s29 =	simm.s32 $0x9;
	_ =	strace $0x8000004B  }
0xba: {  	_ =	swait.ge [sflag:s29], $0x1  }
0xbb: {  	[sflag:s29] =	ssyncadd.s32 $0xFFFFFFFF  }
0xbc: {  	_ =	strace $0x9000004B  }
0xbd: {  	_ =	sfence  }
0xbe: {  	s30 =	sld [smem:$0x0];
	_ =	sdelay $0x2  }
0xbf: {  	s31 =	sshll.u32 s1, $0xD;
	s1 =	sshrl.u32 s1, $0x2  }
0xc0: {  	s3 =	sand.u32 $0x4000, s31;
	s1 =	sadd.s32 s1, s30  }
0xc1: {  	s0 =	sor.u32 s3, s0;
	s1 =	sshll.u32 s1, $0x11  }
0xc2: {  	s0 =	sor.u32 s1, s0  }
0xc3: {  	s0 =	sadd.s32 $0x8F2B, s0  }
0xc4: {  	[sflag:s0] =	ssyncadd.remote.s32 $0x1  }
0xc5: {  	_ =	sfence.sel $0xFFFF  }
0xc6: {  	[dreg:$0x0] =	wrdreg $0xFFFFFFFF;
	(pc) =	sbr.abs _section_cstart, $3  }
0xc7: {  	[dreg:$0x1] =	wrdreg $0xFFFFFFFF  }
0xc8: {  	_ =	task.clear_ibuf [dreg:s7], $0x2FFFF;
	_ =	strace $0x9FFFFFFF  }
0xc9: {  	(tm) =	ssettm $0x7FFFFFFF  }
tec
execute0_lowered:
.L_overlay_start_1:
0x0: {  	(tag) =	ssettag $0x1  }
0x1: {  	s0 =	rddreg [dreg:$0x0]  }
0x2: {  	s1 =	rddreg [dreg:$0x1]  }
0x3: {  	s2 =	rddreg [dreg:$0x2];
	s3 =	simm.s32 $0x0  }
0x4: {  	s10 =	stileid.u32;
	s4 =	srdreg.scid;
	s20 =	simm.s32 $0x80  }
0x5: {  	s22 =	simm.s32 $0x100;
	s23 =	simm.s32 $0x180;
	s24 =	simm.s32 $0x880  }
0x6: {  	s25 =	simm.s32 $0x900;
	s26 =	simm.s32 $0x980;
	[smem:$0x7FF] =	sst s3  }
0x7: {  	s11 =	simm.s32 $0x200;
	_ =	strace $0x8000004A;
	[dreg:$0x6] =	wrdreg s20  }
0x8: {  	s12 =	simm.s32 $0x280;
	s28 =	simm.s32 $0x8;
	[dreg:$0x7] =	wrdreg s22  }
0x9: {  	s29 =	simm.s32 $0xD80;
	s30 =	simm.s32 $0x600;
	[dreg:$0x8] =	wrdreg s23  }
0xa: {  	s31 =	simm.s32 $0x680;
	s5 =	smul.u32 $0x5000, s10;
	[dreg:$0x9] =	wrdreg s24  }
0xb: {  	s6 =	sand.u32 $0x1, s4;
	s9 =	smul.u32 $0x4E000, s10;
	[dreg:$0xa] =	wrdreg s25  }
0xc: {  	s4 =	sadd.s32 $0x29600, s0;
	s17 =	smul.u32 $0x2700, s10;
	[dreg:$0xb] =	wrdreg s26  }
0xd: {  	s21 =	sshll.u32 s10, $0x6;
	p0 =	seq.s32 s6, $0x0;
	[dreg:$0xc] =	wrdreg s11  }
0xe: {  	s14 =	smul.u32 $0x27100, s6;
	s6 =	ssub.s32 $0x2, s6;
	[dreg:$0xd] =	wrdreg s12  }
0xf: {  	s12 =	simm.s32 $0x9;
	s20 =	simm.s32 $0x400;
	s22 =	simm.s32 $0x500  }
0x10: {  	s23 =	simm.s32 $0x580;
	s24 =	simm.s32 $0xC00;
	s25 =	simm.s32 $0xC80  }
0x11: {  	s26 =	simm.s32 $0xD00;
	s7 =	sadd.s32 $0x50000, s5;
	[dreg:$0x1b] =	wrdreg s17  }
0x12: {  	s8 =	sshrl.u32 s6, $0x1;
	s16 =	sshrl.u32 s9, $0x2;
	[dreg:$0x14] =	wrdreg s20  }
0x13: {  	s19 =	sadd.s32 s1, s17;
	s9 =	sor.u32 $0x1C09, s21;
	[dreg:$0x16] =	wrdreg s22  }
0x14: {  	s1 =	sadd.s32 $0x27000, s1;
	s17 =	simm.s32 $0xA80;
	[dreg:$0x17] =	wrdreg s23  }
0x15: {  	s21 =	simm.s32 $0x480;
	s20 =	simm.s32 $0x1;
	[dreg:$0x18] =	wrdreg s24  }
0x16: {  	s22 =	simm.s32 $0x3;
	s23 =	simm.s32 $0x4;
	[dreg:$0x19] =	wrdreg s25  }
0x17: {  	s24 =	simm.s32 $0x5;
	[dreg:$0x1a] =	wrdreg s26;
	s25 =	simm.s32 $0x6  }
0x18: {  	s26 =	simm.s32 $0x7;
	s7 =	smov.u32 @p0 s5;
	[dreg:$0x1c] =	wrdreg s19  }
0x19: {  	s15 =	ssub.s32 s6, s8;
	s6 =	sadd.s32 s16, s2;
	[dreg:$0x1e] =	wrdreg s1  }
0x1a: {  	s8 =	sadd.s32 $0x138000, s2;
	p0 =	sne.s32 s10, $0xF;
	[dreg:$0x11] =	wrdreg s17  }
0x1b: {  	s16 =	simm.s32 $0xA00;
	s19 =	simm.s32 $0xB80;
	[dreg:$0x15] =	wrdreg s21  }
0x1c: {  	s17 =	simm.s32 $0x3000;
	s21 =	simm.s32 $0x2;
	[dreg:$0x1d] =	wrdreg s9  }
0x1d: {  	s1 =	simm.s32 $0x780;
	s10 =	simm.s32 $0xF00;
	[dreg:$0x10] =	wrdreg s16  }
0x1e: {  	s7 =	sshrl.u32 s7, $0x3;
	s13 =	sshrl.u32 s6, $0x3;
	[dreg:$0x13] =	wrdreg s19  }
0x1f: {  	s11 =	sshrl.u32 @!p0 s8, $0x3;
	s7 =	sadd.s32 s7, s0;
	[smem:$0x7FC] =	sst s13  }
0x20: {  	s0 =	sadd.s32 s14, s0;
	s14 =	simm.s32 $0x300;
	[smem:$0x7FD] =	sst s11  }
0x21: {  	s5 =	simm.s32 $0xF80;
	s18 =	sadd.s32 $0x1600, s7;
	[dreg:$0xe] =	wrdreg s14  }
0x22: {  	s16 =	simm.s32 $0x1000;
	s7 =	sadd.s32 $0x15600, s7;
	[dreg:$0x4] =	wrdreg s18  }
0x23: {  	s19 =	simm.s32 $0x7000;
	s0 =	sadd.s32 $0x51000, s0;
	[dreg:$0x5] =	wrdreg s7  }
0x24: {  	s6 =	simm.s32 $0xE00;
	[dreg:$0x1f] =	wrdreg s0;
	s7 =	smax.u32 s15, $0x1  }
0x25: {  	s8 =	simm.s32 $0xE80;
	s15 =	simm.s32 $0x380;
	[smem:$0x7FA] =	sst s7  }
0x26: {  	s14 =	simm.s32 $0x800;
	s18 =	simm.s32 $0xB00;
	[dreg:$0xf] =	wrdreg s15  }
0x27: {  	s0 =	simm.s32 $0x700;
	[dreg:$0x12] =	wrdreg s18;
	s7 =	simm.s32 $0x0  }
0x28: {  	s15 =	simm.s32 $0x40;
	s18 =	simm.s32 $0x5000;
	[smem:$0x7FB] =	sst s7  }
.LBB2_1:
0x29: {  	s7 =	rddreg [dreg:$0x1c]  }
0x2a: {  	[spmem:s13], [sflag:s9] =	dma.local [hbm:s7], $0x2700  }
0x2b: {  	_ =	swait.ge [sflag:s12], $0x2700  }
0x2c: {  	[sflag:s12] =	ssyncset.done $0x0  }
0x2d: {  	s7 =	rddreg [dreg:$0x1e];
	[sflag:s12] =	ssyncadd.s32 $0xFFFFD900  }
0x2e: {  	[spmem:s11], [sflag:s9] =	dma.local @!p0 [hbm:s7], $0x100  }
0x2f: {  	s7 =	simm.s32 @!p0 $0x9  }
0x30: {  	_ =	swait.ge @!p0 [sflag:s7], $0x100  }
0x31: {  	[sflag:s7] =	ssyncset.done @!p0 $0x0  }
0x32: {  	[sflag:s7] =	ssyncadd.s32 @!p0 $0xFFFFFF00  }
0x33: {  	[bflag:$0x0] =	sbarrier.arrive $0xFFFF  }
0x34: {  	s9 =	rddreg [dreg:$0x4]  }
0x35: {  	s7 =	sadd.s32 $0x0, s9  }
0x36: {  	[tilespmem:s3], [sflag:$0x9] =	stream.linear.gather [hbm4b:s7+s3], $0x800, $0x38;
	[tilespmem:$0x1C880] =	vst v63  }
0x37: {  	_ =	swait.ge [sflag:s12], $0x800  }
0x38: {  	s11 =	rddreg [dreg:$0x5];
	[sflag:s12] =	ssyncset.done $0x0  }
0x39: {  	[sflag:s12] =	ssyncadd.s32 $0xFFFFF800;
	s7 =	sadd.s32 $0x0, s11  }
0x3a: {  	[tilespmem:s14], [sflag:$0x9] =	stream.linear.gather [hbm4b:s7+s3], $0x800, $0x38;
	[tilespmem:$0x1C880] =	vst v63  }
0x3b: {  	_ =	swait.ge [sflag:s12], $0x800  }
0x3c: {  	[sflag:s12] =	ssyncset.done $0x0  }
0x3d: {  	[sflag:s12] =	ssyncadd.s32 $0xFFFFF800  }
0x3e: {  	[tilespmem:s16], [sflag:$0x1] =	stream.indirect.gather [hbm4b:s4+s15], $0x80, s3, s15, $0xb8;
	[tilespmem:$0x1C880] =	vst v63  }
0x3f: {  	s13 =	rddreg [dreg:$0x6]  }
0x40: {  	[tilespmem:s17], [sflag:$0x2] =	stream.indirect.gather [hbm4b:s4+s15], $0x80, s13, s15, $0xb8;
	[tilespmem:$0x1C880] =	vst v63  }
0x41: {  	s9 =	rddreg [dreg:$0x7]  }
0x42: {  	[tilespmem:s18], [sflag:$0x3] =	stream.indirect.gather [hbm4b:s4+s15], $0x80, s9, s15, $0xb8;
	[tilespmem:$0x1C880] =	vst v63  }
0x43: {  	s13 =	rddreg [dreg:$0x8]  }
0x44: {  	[tilespmem:s19], [sflag:$0x4] =	stream.indirect.gather [hbm4b:s4+s15], $0x80, s13, s15, $0xb8;
	[tilespmem:$0x1C880] =	vst v63  }
0x45: {  	_ =	swait.ge [sflag:s20], $0x2000  }
0x46: {  	[sflag:s20] =	ssyncset.done $0x0  }
0x47: {  	[sflag:s20] =	ssyncadd.s32 $0xFFFFE000  }
0x48: {  	[spmem:s2] =	stream.indirect.scatter.add.f32 [tilespmem:s16], [sflag:$0x5], $0x80, s14, s15, $0xb8;
	[tilespmem:$0x1C880] =	vst v63  }
0x49: {  	_ =	swait.ge [sflag:s21], $0x2000  }
0x4a: {  	[sflag:s21] =	ssyncset.done $0x0  }
0x4b: {  	s9 =	rddreg [dreg:$0x9];
	[sflag:s21] =	ssyncadd.s32 $0xFFFFE000  }
0x4c: {  	[spmem:s2] =	stream.indirect.scatter.add.f32 [tilespmem:s17], [sflag:$0x6], $0x80, s9, s15, $0xb8;
	[tilespmem:$0x1C880] =	vst v63  }
0x4d: {  	_ =	swait.ge [sflag:s22], $0x2000  }
0x4e: {  	[sflag:s22] =	ssyncset.done $0x0  }
0x4f: {  	s11 =	rddreg [dreg:$0xa];
	[sflag:s22] =	ssyncadd.s32 $0xFFFFE000  }
0x50: {  	[spmem:s2] =	stream.indirect.scatter.add.f32 [tilespmem:s18], [sflag:$0x7], $0x80, s11, s15, $0xb8;
	[tilespmem:$0x1C880] =	vst v63  }
0x51: {  	_ =	swait.ge [sflag:s23], $0x2000  }
0x52: {  	[sflag:s23] =	ssyncset.done $0x0  }
0x53: {  	s13 =	rddreg [dreg:$0xb];
	[sflag:s23] =	ssyncadd.s32 $0xFFFFE000  }
0x54: {  	[spmem:s2] =	stream.indirect.scatter.add.f32 [tilespmem:s19], [sflag:$0x8], $0x80, s13, s15, $0xb8;
	[tilespmem:$0x1C880] =	vst v63  }
0x55: {  	_ =	swait.ge [sflag:s24], $0x2000  }
0x56: {  	[sflag:s24] =	ssyncset.done $0x0  }
0x57: {  	s9 =	rddreg [dreg:$0xc];
	[sflag:s24] =	ssyncadd.s32 $0xFFFFE000  }
0x58: {  	[tilespmem:s16], [sflag:$0x1] =	stream.indirect.gather [hbm4b:s4+s15], $0x80, s9, s15, $0xb8;
	[tilespmem:$0x1C880] =	vst v63  }
0x59: {  	_ =	swait.ge [sflag:s25], $0x2000  }
0x5a: {  	[sflag:s25] =	ssyncset.done $0x0  }
0x5b: {  	s11 =	rddreg [dreg:$0xd];
	[sflag:s25] =	ssyncadd.s32 $0xFFFFE000  }
0x5c: {  	[tilespmem:s17], [sflag:$0x2] =	stream.indirect.gather [hbm4b:s4+s15], $0x80, s11, s15, $0xb8;
	[tilespmem:$0x1C880] =	vst v63  }
0x5d: {  	_ =	swait.ge [sflag:s26], $0x2000  }
0x5e: {  	[sflag:s26] =	ssyncset.done $0x0  }
0x5f: {  	s13 =	rddreg [dreg:$0xe];
	[sflag:s26] =	ssyncadd.s32 $0xFFFFE000  }
0x60: {  	[tilespmem:s18], [sflag:$0x3] =	stream.indirect.gather [hbm4b:s4+s15], $0x80, s13, s15, $0xb8;
	[tilespmem:$0x1C880] =	vst v63  }
0x61: {  	_ =	swait.ge [sflag:s28], $0x2000  }
0x62: {  	[sflag:s28] =	ssyncset.done $0x0  }
0x63: {  	s9 =	rddreg [dreg:$0xf];
	[sflag:s28] =	ssyncadd.s32 $0xFFFFE000  }
0x64: {  	[tilespmem:s19], [sflag:$0x4] =	stream.indirect.gather [hbm4b:s4+s15], $0x80, s9, s15, $0xb8;
	[tilespmem:$0x1C880] =	vst v63  }
0x65: {  	_ =	swait.ge [sflag:s20], $0x2000  }
0x66: {  	[sflag:s20] =	ssyncset.done $0x0  }
0x67: {  	s11 =	rddreg [dreg:$0x10];
	[sflag:s20] =	ssyncadd.s32 $0xFFFFE000  }
0x68: {  	[spmem:s2] =	stream.indirect.scatter.add.f32 [tilespmem:s16], [sflag:$0x5], $0x80, s11, s15, $0xb8;
	[tilespmem:$0x1C880] =	vst v63  }
0x69: {  	_ =	swait.ge [sflag:s21], $0x2000  }
0x6a: {  	[sflag:s21] =	ssyncset.done $0x0  }
0x6b: {  	s13 =	rddreg [dreg:$0x11];
	[sflag:s21] =	ssyncadd.s32 $0xFFFFE000  }
0x6c: {  	[spmem:s2] =	stream.indirect.scatter.add.f32 [tilespmem:s17], [sflag:$0x6], $0x80, s13, s15, $0xb8;
	[tilespmem:$0x1C880] =	vst v63  }
0x6d: {  	_ =	swait.ge [sflag:s22], $0x2000  }
0x6e: {  	[sflag:s22] =	ssyncset.done $0x0  }
0x6f: {  	s9 =	rddreg [dreg:$0x12];
	[sflag:s22] =	ssyncadd.s32 $0xFFFFE000  }
0x70: {  	[spmem:s2] =	stream.indirect.scatter.add.f32 [tilespmem:s18], [sflag:$0x7], $0x80, s9, s15, $0xb8;
	[tilespmem:$0x1C880] =	vst v63  }
0x71: {  	_ =	swait.ge [sflag:s23], $0x2000  }
0x72: {  	[sflag:s23] =	ssyncset.done $0x0  }
0x73: {  	s11 =	rddreg [dreg:$0x13];
	[sflag:s23] =	ssyncadd.s32 $0xFFFFE000  }
0x74: {  	[spmem:s2] =	stream.indirect.scatter.add.f32 [tilespmem:s19], [sflag:$0x8], $0x80, s11, s15, $0xb8;
	[tilespmem:$0x1C880] =	vst v63  }
0x75: {  	_ =	swait.ge [sflag:s24], $0x2000  }
0x76: {  	[sflag:s24] =	ssyncset.done $0x0  }
0x77: {  	s13 =	rddreg [dreg:$0x14];
	[sflag:s24] =	ssyncadd.s32 $0xFFFFE000  }
0x78: {  	[tilespmem:s16], [sflag:$0x1] =	stream.indirect.gather [hbm4b:s4+s15], $0x80, s13, s15, $0xb8;
	[tilespmem:$0x1C880] =	vst v63  }
0x79: {  	_ =	swait.ge [sflag:s25], $0x2000  }
0x7a: {  	[sflag:s25] =	ssyncset.done $0x0  }
0x7b: {  	s9 =	rddreg [dreg:$0x15];
	[sflag:s25] =	ssyncadd.s32 $0xFFFFE000  }
0x7c: {  	[tilespmem:s17], [sflag:$0x2] =	stream.indirect.gather [hbm4b:s4+s15], $0x80, s9, s15, $0xb8;
	[tilespmem:$0x1C880] =	vst v63  }
0x7d: {  	_ =	swait.ge [sflag:s26], $0x2000  }
0x7e: {  	[sflag:s26] =	ssyncset.done $0x0  }
0x7f: {  	s11 =	rddreg [dreg:$0x16];
	[sflag:s26] =	ssyncadd.s32 $0xFFFFE000  }
0x80: {  	[tilespmem:s18], [sflag:$0x3] =	stream.indirect.gather [hbm4b:s4+s15], $0x80, s11, s15, $0xb8;
	[tilespmem:$0x1C880] =	vst v63  }
0x81: {  	_ =	swait.ge [sflag:s28], $0x2000  }
0x82: {  	[sflag:s28] =	ssyncset.done $0x0  }
0x83: {  	s13 =	rddreg [dreg:$0x17];
	[sflag:s28] =	ssyncadd.s32 $0xFFFFE000  }
0x84: {  	[tilespmem:s19], [sflag:$0x4] =	stream.indirect.gather [hbm4b:s4+s15], $0x80, s13, s15, $0xb8;
	[tilespmem:$0x1C880] =	vst v63  }
0x85: {  	_ =	swait.ge [sflag:s20], $0x2000  }
0x86: {  	[sflag:s20] =	ssyncset.done $0x0  }
0x87: {  	s9 =	rddreg [dreg:$0x18];
	[sflag:s20] =	ssyncadd.s32 $0xFFFFE000  }
0x88: {  	[spmem:s2] =	stream.indirect.scatter.add.f32 [tilespmem:s16], [sflag:$0x5], $0x80, s9, s15, $0xb8;
	[tilespmem:$0x1C880] =	vst v63  }
0x89: {  	_ =	swait.ge [sflag:s21], $0x2000  }
0x8a: {  	[sflag:s21] =	ssyncset.done $0x0  }
0x8b: {  	s11 =	rddreg [dreg:$0x19];
	[sflag:s21] =	ssyncadd.s32 $0xFFFFE000  }
0x8c: {  	[spmem:s2] =	stream.indirect.scatter.add.f32 [tilespmem:s17], [sflag:$0x6], $0x80, s11, s15, $0xb8;
	[tilespmem:$0x1C880] =	vst v63  }
0x8d: {  	_ =	swait.ge [sflag:s22], $0x2000  }
0x8e: {  	[sflag:s22] =	ssyncset.done $0x0  }
0x8f: {  	s13 =	rddreg [dreg:$0x1a];
	[sflag:s22] =	ssyncadd.s32 $0xFFFFE000  }
0x90: {  	[spmem:s2] =	stream.indirect.scatter.add.f32 [tilespmem:s18], [sflag:$0x7], $0x80, s13, s15, $0xb8;
	[tilespmem:$0x1C880] =	vst v63  }
0x91: {  	_ =	swait.ge [sflag:s23], $0x2000  }
0x92: {  	[sflag:s23] =	ssyncset.done $0x0  }
0x93: {  	[sflag:s23] =	ssyncadd.s32 $0xFFFFE000  }
0x94: {  	[spmem:s2] =	stream.indirect.scatter.add.f32 [tilespmem:s19], [sflag:$0x8], $0x80, s29, s15, $0xb8;
	[tilespmem:$0x1C880] =	vst v63  }
0x95: {  	_ =	swait.ge [sflag:s24], $0x2000  }
0x96: {  	[sflag:s24] =	ssyncset.done $0x0  }
0x97: {  	[sflag:s24] =	ssyncadd.s32 $0xFFFFE000  }
0x98: {  	[tilespmem:s16], [sflag:$0x1] =	stream.indirect.gather [hbm4b:s4+s15], $0x80, s30, s15, $0xb8;
	[tilespmem:$0x1C880] =	vst v63  }
0x99: {  	_ =	swait.ge [sflag:s25], $0x2000  }
0x9a: {  	[sflag:s25] =	ssyncset.done $0x0  }
0x9b: {  	[sflag:s25] =	ssyncadd.s32 $0xFFFFE000  }
0x9c: {  	[tilespmem:s17], [sflag:$0x2] =	stream.indirect.gather [hbm4b:s4+s15], $0x80, s31, s15, $0xb8;
	[tilespmem:$0x1C880] =	vst v63  }
0x9d: {  	_ =	swait.ge [sflag:s26], $0x2000  }
0x9e: {  	[sflag:s26] =	ssyncset.done $0x0  }
0x9f: {  	[sflag:s26] =	ssyncadd.s32 $0xFFFFE000  }
0xa0: {  	[tilespmem:s18], [sflag:$0x3] =	stream.indirect.gather [hbm4b:s4+s15], $0x80, s0, s15, $0xb8;
	[tilespmem:$0x1C880] =	vst v63  }
0xa1: {  	_ =	swait.ge [sflag:s28], $0x2000  }
0xa2: {  	[sflag:s28] =	ssyncset.done $0x0  }
0xa3: {  	[sflag:s28] =	ssyncadd.s32 $0xFFFFE000  }
0xa4: {  	[tilespmem:s19], [sflag:$0x4] =	stream.indirect.gather [hbm4b:s4+s15], $0x80, s1, s15, $0xb8;
	[tilespmem:$0x1C880] =	vst v63  }
0xa5: {  	_ =	swait.ge [sflag:s20], $0x2000  }
0xa6: {  	[sflag:s20] =	ssyncset.done $0x0  }
0xa7: {  	[sflag:s20] =	ssyncadd.s32 $0xFFFFE000  }
0xa8: {  	[spmem:s2] =	stream.indirect.scatter.add.f32 [tilespmem:s16], [sflag:$0x5], $0x80, s6, s15, $0xb8;
	[tilespmem:$0x1C880] =	vst v63  }
0xa9: {  	_ =	swait.ge [sflag:s21], $0x2000  }
0xaa: {  	[sflag:s21] =	ssyncset.done $0x0  }
0xab: {  	[sflag:s21] =	ssyncadd.s32 $0xFFFFE000  }
0xac: {  	[spmem:s2] =	stream.indirect.scatter.add.f32 [tilespmem:s17], [sflag:$0x6], $0x80, s8, s15, $0xb8;
	[tilespmem:$0x1C880] =	vst v63  }
0xad: {  	_ =	swait.ge [sflag:s22], $0x2000  }
0xae: {  	[sflag:s22] =	ssyncset.done $0x0  }
0xaf: {  	[sflag:s22] =	ssyncadd.s32 $0xFFFFE000  }
0xb0: {  	[spmem:s2] =	stream.indirect.scatter.add.f32 [tilespmem:s18], [sflag:$0x7], $0x80, s10, s15, $0xb8;
	[tilespmem:$0x1C880] =	vst v63  }
0xb1: {  	_ =	swait.ge [sflag:s23], $0x2000  }
0xb2: {  	[sflag:s23] =	ssyncset.done $0x0  }
0xb3: {  	[sflag:s23] =	ssyncadd.s32 $0xFFFFE000  }
0xb4: {  	[spmem:s2] =	stream.indirect.scatter.add.f32 [tilespmem:s19], [sflag:$0x8], $0x80, s5, s15, $0xb8;
	[tilespmem:$0x1C880] =	vst v63  }
0xb5: {  	_ =	swait.ge [sflag:s24], $0x2000  }
0xb6: {  	[sflag:s24] =	ssyncset.done $0x0  }
0xb7: {  	[sflag:s24] =	ssyncadd.s32 $0xFFFFE000  }
0xb8: {  	_ =	swait.ge [sflag:s25], $0x2000  }
0xb9: {  	[sflag:s25] =	ssyncset.done $0x0  }
0xba: {  	[sflag:s25] =	ssyncadd.s32 $0xFFFFE000  }
0xbb: {  	_ =	swait.ge [sflag:s26], $0x2000  }
0xbc: {  	[sflag:s26] =	ssyncset.done $0x0  }
0xbd: {  	[sflag:s26] =	ssyncadd.s32 $0xFFFFE000  }
0xbe: {  	s11 =	simm.s32 $0x100;
	_ =	swait.ge [sflag:s28], $0x2000  }
0xbf: {  	s13 =	simm.s32 $0x200;
	s7 =	rddreg [dreg:$0x4];
	[sflag:s28] =	ssyncset.done $0x0  }
.LBB2_2:
0xc0: {  	[sflag:s28] =	ssyncadd.s32 $0xFFFFE000;
	s7 =	sadd.s32 s11, s7  }
0xc1: {  	[tilespmem:s3], [sflag:$0x9] =	stream.linear.gather [hbm4b:s7+s3], $0x800, $0x38;
	[tilespmem:$0x1C880] =	vst v63  }
0xc2: {  	_ =	swait.ge [sflag:s12], $0x800  }
0xc3: {  	s7 =	rddreg [dreg:$0x5];
	[sflag:s12] =	ssyncset.done $0x0  }
0xc4: {  	[sflag:s12] =	ssyncadd.s32 $0xFFFFF800;
	s7 =	sadd.s32 s11, s7  }
0xc5: {  	[tilespmem:s14], [sflag:$0x9] =	stream.linear.gather [hbm4b:s7+s3], $0x800, $0x38;
	[tilespmem:$0x1C880] =	vst v63  }
0xc6: {  	_ =	swait.ge [sflag:s12], $0x800  }
0xc7: {  	[sflag:s12] =	ssyncset.done $0x0  }
0xc8: {  	[sflag:s12] =	ssyncadd.s32 $0xFFFFF800  }
0xc9: {  	[tilespmem:s16], [sflag:$0x1] =	stream.indirect.gather [hbm4b:s4+s15], $0x80, s3, s15, $0xb8;
	[tilespmem:$0x1C880] =	vst v63  }
0xca: {  	s9 =	smov.u32 s13;
	s7 =	rddreg [dreg:$0x6]  }
0xcb: {  	[tilespmem:s17], [sflag:$0x2] =	stream.indirect.gather [hbm4b:s4+s15], $0x80, s7, s15, $0xb8;
	[tilespmem:$0x1C880] =	vst v63  }
0xcc: {  	s11 =	smov.u32 s9;
	s9 =	rddreg [dreg:$0x7]  }
0xcd: {  	[tilespmem:s18], [sflag:$0x3] =	stream.indirect.gather [hbm4b:s4+s15], $0x80, s9, s15, $0xb8;
	[tilespmem:$0x1C880] =	vst v63  }
0xce: {  	s7 =	rddreg [dreg:$0x8]  }
0xcf: {  	[tilespmem:s19], [sflag:$0x4] =	stream.indirect.gather [hbm4b:s4+s15], $0x80, s7, s15, $0xb8;
	[tilespmem:$0x1C880] =	vst v63  }
0xd0: {  	_ =	swait.ge [sflag:s20], $0x2000  }
0xd1: {  	[sflag:s20] =	ssyncset.done $0x0  }
0xd2: {  	[sflag:s20] =	ssyncadd.s32 $0xFFFFE000  }
0xd3: {  	[spmem:s2] =	stream.indirect.scatter.add.f32 [tilespmem:s16], [sflag:$0x5], $0x80, s14, s15, $0xb8;
	[tilespmem:$0x1C880] =	vst v63  }
0xd4: {  	_ =	swait.ge [sflag:s21], $0x2000  }
0xd5: {  	[sflag:s21] =	ssyncset.done $0x0  }
0xd6: {  	s9 =	rddreg [dreg:$0x9];
	[sflag:s21] =	ssyncadd.s32 $0xFFFFE000  }
0xd7: {  	[spmem:s2] =	stream.indirect.scatter.add.f32 [tilespmem:s17], [sflag:$0x6], $0x80, s9, s15, $0xb8;
	[tilespmem:$0x1C880] =	vst v63  }
0xd8: {  	_ =	swait.ge [sflag:s22], $0x2000  }
0xd9: {  	[sflag:s22] =	ssyncset.done $0x0  }
0xda: {  	s9 =	rddreg [dreg:$0xa];
	[sflag:s22] =	ssyncadd.s32 $0xFFFFE000  }
0xdb: {  	[spmem:s2] =	stream.indirect.scatter.add.f32 [tilespmem:s18], [sflag:$0x7], $0x80, s9, s15, $0xb8;
	[tilespmem:$0x1C880] =	vst v63  }
0xdc: {  	_ =	swait.ge [sflag:s23], $0x2000  }
0xdd: {  	[sflag:s23] =	ssyncset.done $0x0  }
0xde: {  	s9 =	rddreg [dreg:$0xb];
	[sflag:s23] =	ssyncadd.s32 $0xFFFFE000  }
0xdf: {  	[spmem:s2] =	stream.indirect.scatter.add.f32 [tilespmem:s19], [sflag:$0x8], $0x80, s9, s15, $0xb8;
	[tilespmem:$0x1C880] =	vst v63  }
0xe0: {  	_ =	swait.ge [sflag:s24], $0x2000  }
0xe1: {  	[sflag:s24] =	ssyncset.done $0x0  }
0xe2: {  	s9 =	rddreg [dreg:$0xc];
	[sflag:s24] =	ssyncadd.s32 $0xFFFFE000  }
0xe3: {  	[tilespmem:s16], [sflag:$0x1] =	stream.indirect.gather [hbm4b:s4+s15], $0x80, s9, s15, $0xb8;
	[tilespmem:$0x1C880] =	vst v63  }
0xe4: {  	_ =	swait.ge [sflag:s25], $0x2000  }
0xe5: {  	[sflag:s25] =	ssyncset.done $0x0  }
0xe6: {  	s9 =	rddreg [dreg:$0xd];
	[sflag:s25] =	ssyncadd.s32 $0xFFFFE000  }
0xe7: {  	[tilespmem:s17], [sflag:$0x2] =	stream.indirect.gather [hbm4b:s4+s15], $0x80, s9, s15, $0xb8;
	[tilespmem:$0x1C880] =	vst v63  }
0xe8: {  	_ =	swait.ge [sflag:s26], $0x2000  }
0xe9: {  	[sflag:s26] =	ssyncset.done $0x0  }
0xea: {  	s9 =	rddreg [dreg:$0xe];
	[sflag:s26] =	ssyncadd.s32 $0xFFFFE000  }
0xeb: {  	[tilespmem:s18], [sflag:$0x3] =	stream.indirect.gather [hbm4b:s4+s15], $0x80, s9, s15, $0xb8;
	[tilespmem:$0x1C880] =	vst v63  }
0xec: {  	_ =	swait.ge [sflag:s28], $0x2000  }
0xed: {  	[sflag:s28] =	ssyncset.done $0x0  }
0xee: {  	s9 =	rddreg [dreg:$0xf];
	[sflag:s28] =	ssyncadd.s32 $0xFFFFE000  }
0xef: {  	[tilespmem:s19], [sflag:$0x4] =	stream.indirect.gather [hbm4b:s4+s15], $0x80, s9, s15, $0xb8;
	[tilespmem:$0x1C880] =	vst v63  }
0xf0: {  	_ =	swait.ge [sflag:s20], $0x2000  }
0xf1: {  	[sflag:s20] =	ssyncset.done $0x0  }
0xf2: {  	s9 =	rddreg [dreg:$0x10];
	[sflag:s20] =	ssyncadd.s32 $0xFFFFE000  }
0xf3: {  	[spmem:s2] =	stream.indirect.scatter.add.f32 [tilespmem:s16], [sflag:$0x5], $0x80, s9, s15, $0xb8;
	[tilespmem:$0x1C880] =	vst v63  }
0xf4: {  	_ =	swait.ge [sflag:s21], $0x2000  }
0xf5: {  	[sflag:s21] =	ssyncset.done $0x0  }
0xf6: {  	s9 =	rddreg [dreg:$0x11];
	[sflag:s21] =	ssyncadd.s32 $0xFFFFE000  }
0xf7: {  	[spmem:s2] =	stream.indirect.scatter.add.f32 [tilespmem:s17], [sflag:$0x6], $0x80, s9, s15, $0xb8;
	[tilespmem:$0x1C880] =	vst v63  }
0xf8: {  	_ =	swait.ge [sflag:s22], $0x2000  }
0xf9: {  	[sflag:s22] =	ssyncset.done $0x0  }
0xfa: {  	s9 =	rddreg [dreg:$0x12];
	[sflag:s22] =	ssyncadd.s32 $0xFFFFE000  }
0xfb: {  	[spmem:s2] =	stream.indirect.scatter.add.f32 [tilespmem:s18], [sflag:$0x7], $0x80, s9, s15, $0xb8;
	[tilespmem:$0x1C880] =	vst v63  }
0xfc: {  	_ =	swait.ge [sflag:s23], $0x2000  }
0xfd: {  	[sflag:s23] =	ssyncset.done $0x0  }
0xfe: {  	s9 =	rddreg [dreg:$0x13];
	[sflag:s23] =	ssyncadd.s32 $0xFFFFE000  }
0xff: {  	[spmem:s2] =	stream.indirect.scatter.add.f32 [tilespmem:s19], [sflag:$0x8], $0x80, s9, s15, $0xb8;
	[tilespmem:$0x1C880] =	vst v63  }
0x100: {  	_ =	swait.ge [sflag:s24], $0x2000  }
0x101: {  	[sflag:s24] =	ssyncset.done $0x0  }
0x102: {  	s9 =	rddreg [dreg:$0x14];
	[sflag:s24] =	ssyncadd.s32 $0xFFFFE000  }
0x103: {  	[tilespmem:s16], [sflag:$0x1] =	stream.indirect.gather [hbm4b:s4+s15], $0x80, s9, s15, $0xb8;
	[tilespmem:$0x1C880] =	vst v63  }
0x104: {  	_ =	swait.ge [sflag:s25], $0x2000  }
0x105: {  	[sflag:s25] =	ssyncset.done $0x0  }
0x106: {  	s9 =	rddreg [dreg:$0x15];
	[sflag:s25] =	ssyncadd.s32 $0xFFFFE000  }
0x107: {  	[tilespmem:s17], [sflag:$0x2] =	stream.indirect.gather [hbm4b:s4+s15], $0x80, s9, s15, $0xb8;
	[tilespmem:$0x1C880] =	vst v63  }
0x108: {  	_ =	swait.ge [sflag:s26], $0x2000  }
0x109: {  	[sflag:s26] =	ssyncset.done $0x0  }
0x10a: {  	s9 =	rddreg [dreg:$0x16];
	[sflag:s26] =	ssyncadd.s32 $0xFFFFE000  }
0x10b: {  	[tilespmem:s18], [sflag:$0x3] =	stream.indirect.gather [hbm4b:s4+s15], $0x80, s9, s15, $0xb8;
	[tilespmem:$0x1C880] =	vst v63  }
0x10c: {  	_ =	swait.ge [sflag:s28], $0x2000  }
0x10d: {  	[sflag:s28] =	ssyncset.done $0x0  }
0x10e: {  	s9 =	rddreg [dreg:$0x17];
	[sflag:s28] =	ssyncadd.s32 $0xFFFFE000  }
0x10f: {  	[tilespmem:s19], [sflag:$0x4] =	stream.indirect.gather [hbm4b:s4+s15], $0x80, s9, s15, $0xb8;
	[tilespmem:$0x1C880] =	vst v63  }
0x110: {  	_ =	swait.ge [sflag:s20], $0x2000  }
0x111: {  	[sflag:s20] =	ssyncset.done $0x0  }
0x112: {  	s9 =	rddreg [dreg:$0x18];
	[sflag:s20] =	ssyncadd.s32 $0xFFFFE000  }
0x113: {  	[spmem:s2] =	stream.indirect.scatter.add.f32 [tilespmem:s16], [sflag:$0x5], $0x80, s9, s15, $0xb8;
	[tilespmem:$0x1C880] =	vst v63  }
0x114: {  	_ =	swait.ge [sflag:s21], $0x2000  }
0x115: {  	[sflag:s21] =	ssyncset.done $0x0  }
0x116: {  	s9 =	rddreg [dreg:$0x19];
	[sflag:s21] =	ssyncadd.s32 $0xFFFFE000  }
0x117: {  	[spmem:s2] =	stream.indirect.scatter.add.f32 [tilespmem:s17], [sflag:$0x6], $0x80, s9, s15, $0xb8;
	[tilespmem:$0x1C880] =	vst v63  }
0x118: {  	_ =	swait.ge [sflag:s22], $0x2000  }
0x119: {  	[sflag:s22] =	ssyncset.done $0x0  }
0x11a: {  	s9 =	rddreg [dreg:$0x1a];
	[sflag:s22] =	ssyncadd.s32 $0xFFFFE000  }
0x11b: {  	[spmem:s2] =	stream.indirect.scatter.add.f32 [tilespmem:s18], [sflag:$0x7], $0x80, s9, s15, $0xb8;
	[tilespmem:$0x1C880] =	vst v63  }
0x11c: {  	_ =	swait.ge [sflag:s23], $0x2000  }
0x11d: {  	[sflag:s23] =	ssyncset.done $0x0  }
0x11e: {  	[sflag:s23] =	ssyncadd.s32 $0xFFFFE000  }
0x11f: {  	[spmem:s2] =	stream.indirect.scatter.add.f32 [tilespmem:s19], [sflag:$0x8], $0x80, s29, s15, $0xb8;
	[tilespmem:$0x1C880] =	vst v63  }
0x120: {  	_ =	swait.ge [sflag:s24], $0x2000  }
0x121: {  	[sflag:s24] =	ssyncset.done $0x0  }
0x122: {  	[sflag:s24] =	ssyncadd.s32 $0xFFFFE000  }
0x123: {  	[tilespmem:s16], [sflag:$0x1] =	stream.indirect.gather [hbm4b:s4+s15], $0x80, s30, s15, $0xb8;
	[tilespmem:$0x1C880] =	vst v63  }
0x124: {  	_ =	swait.ge [sflag:s25], $0x2000  }
0x125: {  	[sflag:s25] =	ssyncset.done $0x0  }
0x126: {  	[sflag:s25] =	ssyncadd.s32 $0xFFFFE000  }
0x127: {  	[tilespmem:s17], [sflag:$0x2] =	stream.indirect.gather [hbm4b:s4+s15], $0x80, s31, s15, $0xb8;
	[tilespmem:$0x1C880] =	vst v63  }
0x128: {  	_ =	swait.ge [sflag:s26], $0x2000  }
0x129: {  	[sflag:s26] =	ssyncset.done $0x0  }
0x12a: {  	[sflag:s26] =	ssyncadd.s32 $0xFFFFE000  }
0x12b: {  	[tilespmem:s18], [sflag:$0x3] =	stream.indirect.gather [hbm4b:s4+s15], $0x80, s0, s15, $0xb8;
	[tilespmem:$0x1C880] =	vst v63  }
0x12c: {  	_ =	swait.ge [sflag:s28], $0x2000  }
0x12d: {  	[sflag:s28] =	ssyncset.done $0x0  }
0x12e: {  	[sflag:s28] =	ssyncadd.s32 $0xFFFFE000  }
0x12f: {  	[tilespmem:s19], [sflag:$0x4] =	stream.indirect.gather [hbm4b:s4+s15], $0x80, s1, s15, $0xb8;
	[tilespmem:$0x1C880] =	vst v63  }
0x130: {  	_ =	swait.ge [sflag:s20], $0x2000  }
0x131: {  	[sflag:s20] =	ssyncset.done $0x0  }
0x132: {  	[sflag:s20] =	ssyncadd.s32 $0xFFFFE000  }
0x133: {  	[spmem:s2] =	stream.indirect.scatter.add.f32 [tilespmem:s16], [sflag:$0x5], $0x80, s6, s15, $0xb8;
	[tilespmem:$0x1C880] =	vst v63  }
0x134: {  	_ =	swait.ge [sflag:s21], $0x2000  }
0x135: {  	[sflag:s21] =	ssyncset.done $0x0  }
0x136: {  	[sflag:s21] =	ssyncadd.s32 $0xFFFFE000  }
0x137: {  	[spmem:s2] =	stream.indirect.scatter.add.f32 [tilespmem:s17], [sflag:$0x6], $0x80, s8, s15, $0xb8;
	[tilespmem:$0x1C880] =	vst v63  }
0x138: {  	_ =	swait.ge [sflag:s22], $0x2000  }
0x139: {  	[sflag:s22] =	ssyncset.done $0x0  }
0x13a: {  	[sflag:s22] =	ssyncadd.s32 $0xFFFFE000  }
0x13b: {  	[spmem:s2] =	stream.indirect.scatter.add.f32 [tilespmem:s18], [sflag:$0x7], $0x80, s10, s15, $0xb8;
	[tilespmem:$0x1C880] =	vst v63  }
0x13c: {  	_ =	swait.ge [sflag:s23], $0x2000  }
0x13d: {  	[sflag:s23] =	ssyncset.done $0x0  }
0x13e: {  	[sflag:s23] =	ssyncadd.s32 $0xFFFFE000  }
0x13f: {  	[spmem:s2] =	stream.indirect.scatter.add.f32 [tilespmem:s19], [sflag:$0x8], $0x80, s5, s15, $0xb8;
	[tilespmem:$0x1C880] =	vst v63  }
0x140: {  	_ =	swait.ge [sflag:s24], $0x2000  }
0x141: {  	[sflag:s24] =	ssyncset.done $0x0  }
0x142: {  	[sflag:s24] =	ssyncadd.s32 $0xFFFFE000  }
0x143: {  	_ =	swait.ge [sflag:s25], $0x2000  }
0x144: {  	[sflag:s25] =	ssyncset.done $0x0  }
0x145: {  	p1 =	sne.s32 s13, $0x900;
	[sflag:s25] =	ssyncadd.s32 $0xFFFFE000  }
.Ltmp0:
0x146: {  	_ =	swait.ge [sflag:s26], $0x2000;
	(pc) =	sbr.rel @p1 .LBB2_2-.Ltmp0, $4  }
0x147: {  	[sflag:s26] =	ssyncset.done $0x0  }
0x148: {  	[sflag:s26] =	ssyncadd.s32 $0xFFFFE000  }
0x149: {  	_ =	swait.ge [sflag:s28], $0x2000  }
0x14a: {  	s13 =	sadd.s32 $0x100, s13;
	s7 =	rddreg [dreg:$0x4];
	[sflag:s28] =	ssyncset.done $0x0  }
0x14b: {  	[sflag:s28] =	ssyncadd.s32 $0xFFFFE000;
	s7 =	sadd.s32 s11, s7  }
0x14c: {  	[tilespmem:s3], [sflag:$0x9] =	stream.linear.gather [hbm4b:s7+s3], $0x800, $0x38;
	[tilespmem:$0x1C880] =	vst v63  }
0x14d: {  	_ =	swait.ge [sflag:s12], $0x800  }
0x14e: {  	s9 =	rddreg [dreg:$0x5];
	[sflag:s12] =	ssyncset.done $0x0  }
0x14f: {  	[sflag:s12] =	ssyncadd.s32 $0xFFFFF800;
	s7 =	sadd.s32 s11, s9  }
0x150: {  	[tilespmem:s14], [sflag:$0x9] =	stream.linear.gather [hbm4b:s7+s3], $0x800, $0x38;
	[tilespmem:$0x1C880] =	vst v63  }
0x151: {  	_ =	swait.ge [sflag:s12], $0x800  }
0x152: {  	[sflag:s12] =	ssyncset.done $0x0  }
0x153: {  	[sflag:s12] =	ssyncadd.s32 $0xFFFFF800  }
0x154: {  	[tilespmem:s16], [sflag:$0x1] =	stream.indirect.gather [hbm4b:s4+s15], $0x80, s3, s15, $0xb8;
	[tilespmem:$0x1C880] =	vst v63  }
0x155: {  	s13 =	rddreg [dreg:$0x6]  }
0x156: {  	[tilespmem:s17], [sflag:$0x2] =	stream.indirect.gather [hbm4b:s4+s15], $0x80, s13, s15, $0xb8;
	[tilespmem:$0x1C880] =	vst v63  }
0x157: {  	s9 =	rddreg [dreg:$0x7]  }
0x158: {  	[tilespmem:s18], [sflag:$0x3] =	stream.indirect.gather [hbm4b:s4+s15], $0x80, s9, s15, $0xb8;
	[tilespmem:$0x1C880] =	vst v63  }
0x159: {  	s11 =	rddreg [dreg:$0x8]  }
0x15a: {  	[tilespmem:s19], [sflag:$0x4] =	stream.indirect.gather [hbm4b:s4+s15], $0x80, s11, s15, $0xb8;
	[tilespmem:$0x1C880] =	vst v63  }
0x15b: {  	_ =	swait.ge [sflag:s20], $0x2000  }
0x15c: {  	[sflag:s20] =	ssyncset.done $0x0  }
0x15d: {  	[sflag:s20] =	ssyncadd.s32 $0xFFFFE000  }
0x15e: {  	[spmem:s2] =	stream.indirect.scatter.add.f32 [tilespmem:s16], [sflag:$0x5], $0x80, s14, s15, $0xb8;
	[tilespmem:$0x1C880] =	vst v63  }
0x15f: {  	_ =	swait.ge [sflag:s21], $0x2000  }
0x160: {  	[sflag:s21] =	ssyncset.done $0x0  }
0x161: {  	s13 =	rddreg [dreg:$0x9];
	[sflag:s21] =	ssyncadd.s32 $0xFFFFE000  }
0x162: {  	[spmem:s2] =	stream.indirect.scatter.add.f32 [tilespmem:s17], [sflag:$0x6], $0x80, s13, s15, $0xb8;
	[tilespmem:$0x1C880] =	vst v63  }
0x163: {  	_ =	swait.ge [sflag:s22], $0x2000  }
0x164: {  	[sflag:s22] =	ssyncset.done $0x0  }
0x165: {  	s9 =	rddreg [dreg:$0xa];
	[sflag:s22] =	ssyncadd.s32 $0xFFFFE000  }
0x166: {  	[spmem:s2] =	stream.indirect.scatter.add.f32 [tilespmem:s18], [sflag:$0x7], $0x80, s9, s15, $0xb8;
	[tilespmem:$0x1C880] =	vst v63  }
0x167: {  	_ =	swait.ge [sflag:s23], $0x2000  }
0x168: {  	[sflag:s23] =	ssyncset.done $0x0  }
0x169: {  	s11 =	rddreg [dreg:$0xb];
	[sflag:s23] =	ssyncadd.s32 $0xFFFFE000  }
0x16a: {  	[spmem:s2] =	stream.indirect.scatter.add.f32 [tilespmem:s19], [sflag:$0x8], $0x80, s11, s15, $0xb8;
	[tilespmem:$0x1C880] =	vst v63  }
0x16b: {  	_ =	swait.ge [sflag:s24], $0x2000  }
0x16c: {  	[sflag:s24] =	ssyncset.done $0x0  }
0x16d: {  	s13 =	rddreg [dreg:$0xc];
	[sflag:s24] =	ssyncadd.s32 $0xFFFFE000  }
0x16e: {  	[tilespmem:s16], [sflag:$0x1] =	stream.indirect.gather [hbm4b:s4+s15], $0x80, s13, s15, $0xb8;
	[tilespmem:$0x1C880] =	vst v63  }
0x16f: {  	_ =	swait.ge [sflag:s25], $0x2000  }
0x170: {  	[sflag:s25] =	ssyncset.done $0x0  }
0x171: {  	s9 =	rddreg [dreg:$0xd];
	[sflag:s25] =	ssyncadd.s32 $0xFFFFE000  }
0x172: {  	[tilespmem:s17], [sflag:$0x2] =	stream.indirect.gather [hbm4b:s4+s15], $0x80, s9, s15, $0xb8;
	[tilespmem:$0x1C880] =	vst v63  }
0x173: {  	_ =	swait.ge [sflag:s26], $0x2000  }
0x174: {  	[sflag:s26] =	ssyncset.done $0x0  }
0x175: {  	s11 =	rddreg [dreg:$0xe];
	[sflag:s26] =	ssyncadd.s32 $0xFFFFE000  }
0x176: {  	[tilespmem:s18], [sflag:$0x3] =	stream.indirect.gather [hbm4b:s4+s15], $0x80, s11, s15, $0xb8;
	[tilespmem:$0x1C880] =	vst v63  }
0x177: {  	_ =	swait.ge [sflag:s28], $0x2000  }
0x178: {  	[sflag:s28] =	ssyncset.done $0x0  }
0x179: {  	s13 =	rddreg [dreg:$0xf];
	[sflag:s28] =	ssyncadd.s32 $0xFFFFE000  }
0x17a: {  	[tilespmem:s19], [sflag:$0x4] =	stream.indirect.gather [hbm4b:s4+s15], $0x80, s13, s15, $0xb8;
	[tilespmem:$0x1C880] =	vst v63  }
0x17b: {  	_ =	swait.ge [sflag:s20], $0x2000  }
0x17c: {  	[sflag:s20] =	ssyncset.done $0x0  }
0x17d: {  	s9 =	rddreg [dreg:$0x10];
	[sflag:s20] =	ssyncadd.s32 $0xFFFFE000  }
0x17e: {  	[spmem:s2] =	stream.indirect.scatter.add.f32 [tilespmem:s16], [sflag:$0x5], $0x80, s9, s15, $0xb8;
	[tilespmem:$0x1C880] =	vst v63  }
0x17f: {  	_ =	swait.ge [sflag:s21], $0x2000  }
0x180: {  	[sflag:s21] =	ssyncset.done $0x0  }
0x181: {  	s11 =	rddreg [dreg:$0x11];
	[sflag:s21] =	ssyncadd.s32 $0xFFFFE000  }
0x182: {  	[spmem:s2] =	stream.indirect.scatter.add.f32 [tilespmem:s17], [sflag:$0x6], $0x80, s11, s15, $0xb8;
	[tilespmem:$0x1C880] =	vst v63  }
0x183: {  	_ =	swait.ge [sflag:s22], $0x2000  }
0x184: {  	[sflag:s22] =	ssyncset.done $0x0  }
0x185: {  	s13 =	rddreg [dreg:$0x12];
	[sflag:s22] =	ssyncadd.s32 $0xFFFFE000  }
0x186: {  	[spmem:s2] =	stream.indirect.scatter.add.f32 [tilespmem:s18], [sflag:$0x7], $0x80, s13, s15, $0xb8;
	[tilespmem:$0x1C880] =	vst v63  }
0x187: {  	_ =	swait.ge [sflag:s23], $0x2000  }
0x188: {  	[sflag:s23] =	ssyncset.done $0x0  }
0x189: {  	s9 =	rddreg [dreg:$0x13];
	[sflag:s23] =	ssyncadd.s32 $0xFFFFE000  }
0x18a: {  	[spmem:s2] =	stream.indirect.scatter.add.f32 [tilespmem:s19], [sflag:$0x8], $0x80, s9, s15, $0xb8;
	[tilespmem:$0x1C880] =	vst v63  }
0x18b: {  	_ =	swait.ge [sflag:s24], $0x2000  }
0x18c: {  	[sflag:s24] =	ssyncset.done $0x0  }
0x18d: {  	s11 =	rddreg [dreg:$0x14];
	[sflag:s24] =	ssyncadd.s32 $0xFFFFE000  }
0x18e: {  	[tilespmem:s16], [sflag:$0x1] =	stream.indirect.gather [hbm4b:s4+s15], $0x80, s11, s15, $0xb8;
	[tilespmem:$0x1C880] =	vst v63  }
0x18f: {  	_ =	swait.ge [sflag:s25], $0x2000  }
0x190: {  	[sflag:s25] =	ssyncset.done $0x0  }
0x191: {  	s13 =	rddreg [dreg:$0x15];
	[sflag:s25] =	ssyncadd.s32 $0xFFFFE000  }
0x192: {  	[tilespmem:s17], [sflag:$0x2] =	stream.indirect.gather [hbm4b:s4+s15], $0x80, s13, s15, $0xb8;
	[tilespmem:$0x1C880] =	vst v63  }
0x193: {  	_ =	swait.ge [sflag:s26], $0x2000  }
0x194: {  	[sflag:s26] =	ssyncset.done $0x0  }
0x195: {  	s9 =	rddreg [dreg:$0x16];
	[sflag:s26] =	ssyncadd.s32 $0xFFFFE000  }
0x196: {  	[tilespmem:s18], [sflag:$0x3] =	stream.indirect.gather [hbm4b:s4+s15], $0x80, s9, s15, $0xb8;
	[tilespmem:$0x1C880] =	vst v63  }
0x197: {  	_ =	swait.ge [sflag:s28], $0x2000  }
0x198: {  	[sflag:s28] =	ssyncset.done $0x0  }
0x199: {  	s11 =	rddreg [dreg:$0x17];
	[sflag:s28] =	ssyncadd.s32 $0xFFFFE000  }
0x19a: {  	[tilespmem:s19], [sflag:$0x4] =	stream.indirect.gather [hbm4b:s4+s15], $0x80, s11, s15, $0xb8;
	[tilespmem:$0x1C880] =	vst v63  }
0x19b: {  	_ =	swait.ge [sflag:s20], $0x2000  }
0x19c: {  	[sflag:s20] =	ssyncset.done $0x0  }
0x19d: {  	s13 =	rddreg [dreg:$0x18];
	[sflag:s20] =	ssyncadd.s32 $0xFFFFE000  }
0x19e: {  	[spmem:s2] =	stream.indirect.scatter.add.f32 [tilespmem:s16], [sflag:$0x5], $0x80, s13, s15, $0xb8;
	[tilespmem:$0x1C880] =	vst v63  }
0x19f: {  	_ =	swait.ge [sflag:s21], $0x2000  }
0x1a0: {  	[sflag:s21] =	ssyncset.done $0x0  }
0x1a1: {  	s9 =	rddreg [dreg:$0x19];
	[sflag:s21] =	ssyncadd.s32 $0xFFFFE000  }
0x1a2: {  	[spmem:s2] =	stream.indirect.scatter.add.f32 [tilespmem:s17], [sflag:$0x6], $0x80, s9, s15, $0xb8;
	[tilespmem:$0x1C880] =	vst v63  }
0x1a3: {  	_ =	swait.ge [sflag:s22], $0x2000  }
0x1a4: {  	[sflag:s22] =	ssyncset.done $0x0  }
0x1a5: {  	s11 =	rddreg [dreg:$0x1a];
	[sflag:s22] =	ssyncadd.s32 $0xFFFFE000  }
0x1a6: {  	[spmem:s2] =	stream.indirect.scatter.add.f32 [tilespmem:s18], [sflag:$0x7], $0x80, s11, s15, $0xb8;
	[tilespmem:$0x1C880] =	vst v63  }
0x1a7: {  	_ =	swait.ge [sflag:s23], $0x2000  }
0x1a8: {  	[sflag:s23] =	ssyncset.done $0x0  }
0x1a9: {  	[sflag:s23] =	ssyncadd.s32 $0xFFFFE000  }
0x1aa: {  	[spmem:s2] =	stream.indirect.scatter.add.f32 [tilespmem:s19], [sflag:$0x8], $0x80, s29, s15, $0xb8;
	[tilespmem:$0x1C880] =	vst v63  }
0x1ab: {  	_ =	swait.ge [sflag:s24], $0x2000  }
0x1ac: {  	[sflag:s24] =	ssyncset.done $0x0  }
0x1ad: {  	[sflag:s24] =	ssyncadd.s32 $0xFFFFE000  }
0x1ae: {  	[tilespmem:s16], [sflag:$0x1] =	stream.indirect.gather [hbm4b:s4+s15], $0x80, s30, s15, $0xb8;
	[tilespmem:$0x1C880] =	vst v63  }
0x1af: {  	_ =	swait.ge [sflag:s25], $0x2000  }
0x1b0: {  	[sflag:s25] =	ssyncset.done $0x0  }
0x1b1: {  	[sflag:s25] =	ssyncadd.s32 $0xFFFFE000  }
0x1b2: {  	[tilespmem:s17], [sflag:$0x2] =	stream.indirect.gather [hbm4b:s4+s15], $0x80, s31, s15, $0xb8;
	[tilespmem:$0x1C880] =	vst v63  }
0x1b3: {  	_ =	swait.ge [sflag:s26], $0x2000  }
0x1b4: {  	[sflag:s26] =	ssyncset.done $0x0  }
0x1b5: {  	[sflag:s26] =	ssyncadd.s32 $0xFFFFE000  }
0x1b6: {  	[tilespmem:s18], [sflag:$0x3] =	stream.indirect.gather [hbm4b:s4+s15], $0x80, s0, s15, $0xb8;
	[tilespmem:$0x1C880] =	vst v63  }
0x1b7: {  	_ =	swait.ge [sflag:s28], $0x2000  }
0x1b8: {  	[sflag:s28] =	ssyncset.done $0x0  }
0x1b9: {  	[sflag:s28] =	ssyncadd.s32 $0xFFFFE000  }
0x1ba: {  	[tilespmem:s19], [sflag:$0x4] =	stream.indirect.gather [hbm4b:s4+s15], $0x80, s1, s15, $0xb8;
	[tilespmem:$0x1C880] =	vst v63  }
0x1bb: {  	_ =	swait.ge [sflag:s20], $0x2000  }
0x1bc: {  	[sflag:s20] =	ssyncset.done $0x0  }
0x1bd: {  	[sflag:s20] =	ssyncadd.s32 $0xFFFFE000  }
0x1be: {  	[spmem:s2] =	stream.indirect.scatter.add.f32 [tilespmem:s16], [sflag:$0x5], $0x80, s6, s15, $0xb8;
	[tilespmem:$0x1C880] =	vst v63  }
0x1bf: {  	_ =	swait.ge [sflag:s21], $0x2000  }
0x1c0: {  	[sflag:s21] =	ssyncset.done $0x0  }
0x1c1: {  	[sflag:s21] =	ssyncadd.s32 $0xFFFFE000  }
0x1c2: {  	[spmem:s2] =	stream.indirect.scatter.add.f32 [tilespmem:s17], [sflag:$0x6], $0x80, s8, s15, $0xb8;
	[tilespmem:$0x1C880] =	vst v63  }
0x1c3: {  	_ =	swait.ge [sflag:s22], $0x2000  }
0x1c4: {  	[sflag:s22] =	ssyncset.done $0x0  }
0x1c5: {  	[sflag:s22] =	ssyncadd.s32 $0xFFFFE000  }
0x1c6: {  	[spmem:s2] =	stream.indirect.scatter.add.f32 [tilespmem:s18], [sflag:$0x7], $0x80, s10, s15, $0xb8;
	[tilespmem:$0x1C880] =	vst v63  }
0x1c7: {  	_ =	swait.ge [sflag:s23], $0x2000  }
0x1c8: {  	[sflag:s23] =	ssyncset.done $0x0  }
0x1c9: {  	[sflag:s23] =	ssyncadd.s32 $0xFFFFE000  }
0x1ca: {  	[spmem:s2] =	stream.indirect.scatter.add.f32 [tilespmem:s19], [sflag:$0x8], $0x80, s5, s15, $0xb8;
	[tilespmem:$0x1C880] =	vst v63  }
0x1cb: {  	_ =	swait.ge [sflag:s24], $0x2000  }
0x1cc: {  	[sflag:s24] =	ssyncset.done $0x0  }
0x1cd: {  	[sflag:s24] =	ssyncadd.s32 $0xFFFFE000  }
0x1ce: {  	_ =	swait.ge [sflag:s25], $0x2000  }
0x1cf: {  	[sflag:s25] =	ssyncset.done $0x0  }
0x1d0: {  	[sflag:s25] =	ssyncadd.s32 $0xFFFFE000  }
0x1d1: {  	_ =	swait.ge [sflag:s26], $0x2000  }
0x1d2: {  	[sflag:s26] =	ssyncset.done $0x0  }
0x1d3: {  	[sflag:s26] =	ssyncadd.s32 $0xFFFFE000  }
0x1d4: {  	_ =	swait.ge [sflag:s28], $0x2000  }
0x1d5: {  	[sflag:s28] =	ssyncset.done $0x0  }
0x1d6: {  	[sflag:s28] =	ssyncadd.s32 $0xFFFFE000  }
0x1d7: {  	[bflag:$0x0] =	sbarrier.arrive $0xFFFF  }
0x1d8: {  	s13 =	rddreg [dreg:$0x1b]  }
0x1d9: {  	s11 =	rddreg [dreg:$0x1f]  }
0x1da: {  	s7 =	sadd.s32 s13, s11;
	s13 =	sld [smem:$0x7FC];
	_ =	sdelay $0x1  }
0x1db: {  	s9 =	rddreg [dreg:$0x1d]  }
0x1dc: {  	[hbm:s7], [sflag:s9] =	dma.local [spmem:s13], $0x2700  }
0x1dd: {  	_ =	swait.ge [sflag:s12], $0x2700  }
0x1de: {  	s13 =	sld [smem:$0x7FD]  }
0x1df: {  	[sflag:s12] =	ssyncset.done $0x0  }
0x1e0: {  	s7 =	sadd.s32 @!p0 $0x27000, s11;
	s11 =	simm.s32 @!p0 $0x9;
	[sflag:s12] =	ssyncadd.s32 $0xFFFFD900  }
0x1e1: {  	[hbm:s7], [sflag:s9] =	dma.local @!p0 [spmem:s13], $0x100  }
0x1e2: {  	_ =	swait.ge @!p0 [sflag:s11], $0x100  }
0x1e3: {  	s7 =	sld [smem:$0x7FB]  }
0x1e4: {  	[sflag:s11] =	ssyncset.done @!p0 $0x0;
	s11 =	sld [smem:$0x7FA];
	_ =	sdelay $0x1  }
0x1e5: {  	s7 =	sadd.s32 $0x1, s7  }
0x1e6: {  	p1 =	sne.s32 s7, s11  }
.Ltmp1:
0x1e7: {  	_ = 	snop;
	(pc) =	sbr.rel @p1 .LBB2_1-.Ltmp1, $4  }
0x1e8: {  	_ = 	snop  }
0x1e9: {  	[smem:$0x7FB] =	sst s7  }
0x1ea: {  	s11 =	smov.u32 s13;
	s13 =	sld [smem:$0x7FC];
	s7 =	simm.s32 @!p0 $0x9  }
0x1eb: {  	[sflag:s7] =	ssyncadd.s32 @!p0 $0xFFFFFF00  }
0x1ec: {  	_ =	sfence.sel $0x180000  }
0x1ed: {  	[bflag:$0x0] =	sbarrier.arrive $0xFFFF  }
0x1ee: {  	_ =	strace $0x9000004A  }
0x1ef: {  	s0 =	stileid.u32;
	[bflag:$0x2] =	sbarrier.arrive $0xFFFF  }
0x1f0: {  	p0 =	sne.s32 s0, $0x0;
	s0 =	rddreg [dreg:$0x3]  }
0x1f1: {  	s0 =	sadd.s32 @!p0 $0x100000, s0  }
0x1f2: {  	[sflag:s0] =	ssyncadd.tile.s32 @!p0 $0x1;
	_ =	shalt  }
.Lfunc_end2:
_tile_overlayer_lowered:
.L_overlay_start_2:
0x1f3: {  	(tag) =	ssettag $0x2  }
0x1f4: {  	s0 =	rddreg [dreg:$0x0];
	s2 =	stileid.u32  }
0x1f5: {  	s1 =	rddreg [dreg:$0x1];
	p0 =	sne.s32 s2, $0x0  }
0x1f6: {  	s3 =	rddreg [dreg:$0x2];
	[bflag:$0x3] =	sbarrier.arrive $0xFFFF;
	s2 =	simm.s32 @!p0 $0x1C09  }
0x1f7: {  	[timem:s3], [sflag:s2] =	dma.local @!p0 [hbm:s0], s1  }
0x1f8: {  	s0 =	simm.s32 @!p0 $0x9  }
0x1f9: {  	_ =	swait.ge @!p0 [sflag:s0], s1  }
0x1fa: {  	s1 =	ssub.s32 @!p0 $0x0, s1;
	[sflag:s0] =	ssyncset.done @!p0 $0x0  }
0x1fb: {  	[sflag:s0] =	ssyncadd.s32 @!p0 s1  }
0x1fc: {  	[bflag:$0x3] =	sbarrier.arrive $0xFFFF  }
0x1fd: {  	_ =	shalt  }

// kernel: kernel.7.cloned.1.call-start
scs
__scs_entry_jumppad:
0x0: {  	(pc) =	sbr.rel $0x88, $3  }
0x1: {  	(tag) =	ssettag $0x0;
	lr =	simm.s32 $0x1  }
0x2: {  	[smem:$0x3F9D] =	sst lr;
	_ =	strace $0xD0000000  }
0x3: {  	_ = 	snop  }
0x4: {  	_ = 	snop  }
0x5: {  	_ = 	snop  }
0x6: {  	_ = 	snop  }
0x7: {  	_ = 	snop  }
__scs_overlays_trampoline_lowered:
0x8: {  	[smem:$0x3FAC] =	sst s0  }
0x9: {  	[smem:$0x3FAD] =	sst s1  }
0xa: {  	[smem:$0x3FAE] =	sst s2  }
0xb: {  	[smem:$0x3FAF] =	sst s3  }
0xc: {  	[smem:$0x3FB0] =	sst s4  }
0xd: {  	[smem:$0x3FB1] =	sst s5  }
0xe: {  	[smem:$0x3FB2] =	sst s6  }
0xf: {  	[smem:$0x3FB3] =	sst s7  }
0x10: {  	[smem:$0x3FB4] =	sst s8  }
0x11: {  	[smem:$0x3FB5] =	sst s9;
	s0 =	simm.s32 @!p0 $0x0  }
0x12: {  	s1 =	sld [smem:$0x3F9B];
	s0 =	simm.s32 @p0 $0x1  }
0x13: {  	[smem:$0x3FB6] =	sst s0;
	s0 =	simm.s32 @!p1 $0x0  }
0x14: {  	s2 =	sld [smem:$0x3F9A];
	s0 =	simm.s32 @p1 $0x1  }
0x15: {  	[smem:$0x3FB7] =	sst s0;
	s0 =	simm.s32 @!p2 $0x0  }
0x16: {  	s3 =	sld [smem:$0x3FDB];
	s0 =	simm.s32 @p2 $0x1  }
0x17: {  	s4 =	simm.s32 $0x1BF5;
	[smem:$0x3FB9] =	sst s0  }
0x18: {  	s0 =	sld [smem:$0x3F9C];
	_ =	swait.ge [sflag:s4], $0x0  }
0x19: {  	s7 =	sld [smem:$0x3F9D]  }
0x1a: {  	s8 =	sadd.s32 $0xFFFFE003, lr  }
0x1b: {  	s9 =	sadd.s32 $0xFFFFFEF7, lr;
	s5 =	simm.s32 $0xFFFFFFFF;
	p2 =	slt.u32 s8, $0xFFFFF086  }
0x1c: {  	p1 =	slt.u32 s9, $0xF7A;
	s5 =	simm.s32 @!p2 $0x0  }
0x1d: {  	s5 =	simm.s32 @p1 $0x1;
	p0 =	seq.s32 s7, s2  }
0x1e: {  	s7 =	smul.u32 @!p0 $0xF7A, s2;
	p2 =	seq.s32 @!p0 s5, $0x0  }
0x1f: {  	s9 =	smul.u32 $0xF7A, s1;
	s8 =	simm.s32 @!p0 $0x1BF5;
	p2 =	por !p2, p0  }
0x20: {  	[sflag:s8] =	ssyncset.s32 @!p0 $0xFFFFF086;
	s6 =	sadd.s32 @!p0 s3, s7;
	s7 =	simm.s32 @!p0 $0x108  }
0x21: {  	s3 =	sadd.s32 s3, s9;
	s6 =	sadd.s32 @!p0 $0x88, s6;
	s7 =	simm.s32 @p2 $0x1082  }
0x22: {  	[simem:s7], [sflag:s8] =	dma.local @!p0 [hbm:s6], $0xF7A  }
0x23: {  	s9 =	sor.u32 $0xD0000000, s2;
	s6 =	simm.s32 $0x108;
	_ =	swait.ge @!p0 [sflag:s8], $0x0  }
0x24: {  	s3 =	sadd.s32 $0x88, s3;
	s6 =	simm.s32 @!p1 $0x1082;
	[sflag:s4] =	ssyncset.s32 $0xFFFFF086  }
0x25: {  	[simem:s6], [sflag:s4] =	dma.local [hbm:s3], $0xF7A  }
0x26: {  	[smem:$0x3F9D] =	sst s1;
	(tag) =	ssettag s2;
	_ =	strace s9  }
0x27: {  	s1 =	sld [smem:$0x3FAD]  }
0x28: {  	s2 =	sld [smem:$0x3FAE]  }
0x29: {  	s4 =	sld [smem:$0x3FB0]  }
0x2a: {  	p0 =	seq.s32 s5, $0x0;
	s5 =	sld [smem:$0x3FB1]  }
0x2b: {  	s6 =	sld [smem:$0x3FB2]  }
0x2c: {  	s7 =	sld [smem:$0x3FB3]  }
0x2d: {  	s3 =	simm.s32 $0x108;
	s8 =	sld [smem:$0x3FB4]  }
0x2e: {  	s3 =	simm.s32 @!p0 $0x1082;
	s9 =	sld [smem:$0x3FB5]  }
0x2f: {  	lr =	sadd.s32 s0, s3;
	s0 =	sld [smem:$0x3FAC]  }
0x30: {  	s3 =	sld [smem:$0x3FAF]  }
0x31: {  	[smem:$0x3FB8] =	sst s10  }
0x32: {  	s10 =	sld [smem:$0x3FB6];
	_ =	sdelay $0x3  }
0x33: {  	p0 =	seq.s32 s10, $0x1;
	s10 =	sld [smem:$0x3FB8];
	_ =	sdelay $0x3  }
0x34: {  	[smem:$0x3FB8] =	sst s10  }
0x35: {  	s10 =	sld [smem:$0x3FB7];
	_ =	sdelay $0x3  }
0x36: {  	p1 =	seq.s32 s10, $0x1;
	s10 =	sld [smem:$0x3FB8];
	_ =	sdelay $0x3  }
0x37: {  	[smem:$0x3FB8] =	sst s10  }
0x38: {  	s10 =	sld [smem:$0x3FB9]  }
0x39: {  	_ = 	snop;
	(pc) =	sbr.ind lr, $3  }
0x3a: {  	_ = 	snop  }
0x3b: {  	_ = 	snop  }
0x3c: {  	p2 =	seq.s32 s10, $0x1;
	s10 =	sld [smem:$0x3FB8]  }
0x3d: {  	_ =	shalt  }
0x3e: {  	_ =	shalt  }
0x3f: {  	_ =	shalt  }
0x40: {  	_ =	shalt  }
0x41: {  	_ =	shalt  }
0x42: {  	_ =	shalt  }
0x43: {  	_ =	shalt  }
0x44: {  	_ =	shalt  }
0x45: {  	_ =	shalt  }
0x46: {  	_ =	shalt  }
0x47: {  	_ =	shalt  }
0x48: {  	_ =	shalt  }
0x49: {  	_ =	shalt  }
0x4a: {  	_ =	shalt  }
0x4b: {  	_ =	shalt  }
0x4c: {  	_ =	shalt  }
0x4d: {  	_ =	shalt  }
0x4e: {  	_ =	shalt  }
0x4f: {  	_ =	shalt  }
0x50: {  	_ =	shalt  }
0x51: {  	_ =	shalt  }
0x52: {  	_ =	shalt  }
0x53: {  	_ =	shalt  }
0x54: {  	_ =	shalt  }
0x55: {  	_ =	shalt  }
0x56: {  	_ =	shalt  }
0x57: {  	_ =	shalt  }
0x58: {  	_ =	shalt  }
0x59: {  	_ =	shalt  }
0x5a: {  	_ =	shalt  }
0x5b: {  	_ =	shalt  }
0x5c: {  	_ =	shalt  }
0x5d: {  	_ =	shalt  }
0x5e: {  	_ =	shalt  }
0x5f: {  	_ =	shalt  }
0x60: {  	_ =	shalt  }
0x61: {  	_ =	shalt  }
0x62: {  	_ =	shalt  }
0x63: {  	_ =	shalt  }
0x64: {  	_ =	shalt  }
0x65: {  	_ =	shalt  }
0x66: {  	_ =	shalt  }
0x67: {  	_ =	shalt  }
0x68: {  	_ =	shalt  }
0x69: {  	_ =	shalt  }
0x6a: {  	_ =	shalt  }
0x6b: {  	_ =	shalt  }
0x6c: {  	_ =	shalt  }
0x6d: {  	_ =	shalt  }
0x6e: {  	_ =	shalt  }
0x6f: {  	_ =	shalt  }
0x70: {  	_ =	shalt  }
0x71: {  	_ =	shalt  }
0x72: {  	_ =	shalt  }
0x73: {  	_ =	shalt  }
0x74: {  	_ =	shalt  }
0x75: {  	_ =	shalt  }
0x76: {  	_ =	shalt  }
0x77: {  	_ =	shalt  }
0x78: {  	_ =	shalt  }
0x79: {  	_ =	shalt  }
0x7a: {  	_ =	shalt  }
0x7b: {  	_ =	shalt  }
0x7c: {  	_ =	shalt  }
0x7d: {  	_ =	shalt  }
0x7e: {  	_ =	shalt  }
0x7f: {  	_ =	shalt  }
0x80: {  	_ =	shalt  }
0x81: {  	_ =	shalt  }
0x82: {  	_ =	shalt  }
0x83: {  	_ =	shalt  }
0x84: {  	_ =	shalt  }
0x85: {  	_ =	shalt  }
0x86: {  	_ =	shalt  }
0x87: {  	_ =	shalt  }
.Lfunc_end0:
.L_simem_size_0:
called_computation_lowered:
.L_overlay_start_0:
0x88: {  	s2 =	sld [smem:$0x3FD9]  }
0x89: {  	s3 =	sld [smem:$0x3FFE];
	_ =	sdelay $0x1  }
0x8a: {  	s1 =	srdreg.scid  }
0x8b: {  	s0 =	sand.u32 $0x1, s1  }
0x8c: {  	s14 =	sshll.u32 s0, $0xA;
	s2 =	sadd.s32 s3, s2  }
0x8d: {  	s2 =	sadd.s32 s2, s14  }
0x8e: {  	[smem:$0x3FC4] =	sst s2  }
0x8f: {  	_ = 	snop  }
0x90: {  	s2 =	sld [smem:$0x3FD0];
	_ =	sdelay $0x2  }
0x91: {  	s15 =	simm.s32 $0xA;
	s4 =	simm.s32 $0x10  }
0x92: {  	[smem:s4], [sflag:s15] =	dma.local [hbm:s2], $0x1  }
0x93: {  	_ =	swait.eq [sflag:s15], $0x1  }
0x94: {  	[sflag:s15] =	ssyncset.done $0x0  }
0x95: {  	[sflag:s15] =	ssyncadd.s32 $0xFFFFFFFF  }
0x96: {  	s16 =	sld [smem:$0x11];
	(tm) =	ssettm $0x1  }
0x97: {  	s17 =	sld [smem:$0x3FFB];
	_ =	sdelay $0x3  }
0x98: {  	_ =	strace s17  }
0x99: {  	s3 =	sld [smem:$0x3FFC];
	_ =	sdelay $0x3  }
0x9a: {  	_ =	strace s3  }
0x9b: {  	s3 =	sld [smem:$0x3FFD];
	_ =	sdelay $0x3  }
0x9c: {  	_ =	strace s3  }
0x9d: {  	_ =	strace $0x8FFFFFFF  }
0x9e: {  	s18 =	sld [smem:$0x3FDB];
	_ =	sdelay $0x1  }
0x9f: {  	s19 =	simm.s32 $_scs_section_size  }
0xa0: {  	s5 =	simm.s32 $_size__tile_overlayer_lowered;
	s6 =	simm.s32 $_tile_overlayer_lowered  }
0xa1: {  	s22 =	simm.s32 $0x1BFF;
	s21 =	sshll.u32 s6, $0x1;
	s3 =	sadd.s32 s19, s18  }
0xa2: {  	s7 =	simm.s32 $0x0;
	s20 =	sshll.u32 s5, $0x1;
	s5 =	sadd.s32 s21, s3  }
0xa3: {  	[timem:s7], [sflag:s22] =	dma.local [hbm:s5], s20  }
0xa4: {  	_ =	swait.ge [sflag:s22], s20  }
0xa5: {  	s4 =	ssub.s32 $0x0, s20;
	[sflag:s22] =	ssyncset.done $0x0  }
0xa6: {  	[sflag:s22] =	ssyncadd.s32 s4;
	_ =	sdelay $0x1  }
0xa7: {  	s23 =	simm.s32 $0x1B8B  }
0xa8: {  	_ =	swait.ge [sflag:s23], $0x1  }
0xa9: {  	[sflag:s23] =	ssyncset.done $0x0  }
0xaa: {  	s25 =	simm.s32 $0x1B8E;
	s24 =	sld [smem:$0x3FFE];
	[sflag:s23] =	ssyncadd.s32 $0xFFFFFFFF  }
0xab: {  	s26 =	simm.s32 $execute0_lowered;
	[smem:$0x3FD2] =	sst s25  }
0xac: {  	s5 =	sshll.u32 s26, $0x1;
	_ =	strace $0x80000046;
	[dreg:$0x1] =	wrdreg $0xFFFFFFFF  }
0xad: {  	s28 =	simm.s32 $_size_execute0_lowered;
	s3 =	sadd.s32 s3, s5;
	[dreg:$0x0] =	wrdreg $0x0  }
0xae: {  	s5 =	sshll.u32 s28, $0x1;
	[dreg:$0x2] =	wrdreg s3  }
0xaf: {  	[dreg:$0x3] =	wrdreg s5  }
0xb0: {  	[dreg:$0x4] =	wrdreg $0xC0  }
0xb1: {  	_ =	task [dreg:s7], $0x5FFFF  }
0xb2: {  	[dreg:$0x1] =	wrdreg $0xFFFFFFFF  }
0xb3: {  	[dreg:$0x0] =	wrdreg $0x60  }
0xb4: {  	[dreg:$0x2] =	wrdreg s24  }
0xb5: {  	[dreg:$0x3] =	wrdreg s16  }
0xb6: {  	[dreg:$0x4] =	wrdreg $0x9  }
0xb7: {  	_ =	task.clear_ibuf [dreg:s7], $0x5FFFF;
	_ =	strace $0x90000046  }
0xb8: {  	s29 =	simm.s32 $0x9;
	_ =	strace $0x80000048  }
0xb9: {  	_ =	swait.ge [sflag:s29], $0x1  }
0xba: {  	[sflag:s29] =	ssyncadd.s32 $0xFFFFFFFF  }
0xbb: {  	_ =	strace $0x90000048  }
0xbc: {  	_ =	sfence  }
0xbd: {  	s30 =	sld [smem:$0x0];
	_ =	sdelay $0x2  }
0xbe: {  	s31 =	sshll.u32 s1, $0xD;
	s1 =	sshrl.u32 s1, $0x2  }
0xbf: {  	s3 =	sand.u32 $0x4000, s31;
	s1 =	sadd.s32 s1, s30  }
0xc0: {  	s0 =	sor.u32 s3, s0;
	s1 =	sshll.u32 s1, $0x11  }
0xc1: {  	s0 =	sor.u32 s1, s0  }
0xc2: {  	s0 =	sadd.s32 $0x8F2B, s0  }
0xc3: {  	[sflag:s0] =	ssyncadd.remote.s32 $0x1  }
0xc4: {  	_ =	sfence.sel $0xFFFF  }
0xc5: {  	[dreg:$0x0] =	wrdreg $0xFFFFFFFF;
	(pc) =	sbr.abs _section_cstart, $3  }
0xc6: {  	[dreg:$0x1] =	wrdreg $0xFFFFFFFF  }
0xc7: {  	_ =	task.clear_ibuf [dreg:s7], $0x2FFFF;
	_ =	strace $0x9FFFFFFF  }
0xc8: {  	(tm) =	ssettm $0x7FFFFFFF  }
0xc9: {  	_ =	shalt  }
tec
execute0_lowered:
.L_overlay_start_1:
0x0: {  	(tag) =	ssettag $0x1  }
0x1: {  	s1 =	srdreg.scid;
	s0 =	stileid.u32  }
0x2: {  	s3 =	rddreg [dreg:$0x0];
	s4 =	sand.u32 $0x1, s1;
	s30 =	sshll.u32 s0, $0x1  }
0x3: {  	s5 =	rddreg [dreg:$0x1];
	s6 =	sor.u32 s4, s30  }
0x4: {  	s2 =	simm.s32 $0x0;
	s1 =	rddreg [dreg:$0x2];
	s7 =	smul.u32 $0x5000, s6  }
0x5: {  	[smem:$0x7FF] =	sst s2;
	s4 =	ssub.s32 $0x2, s4;
	s8 =	smul.u32 $0xFFFFFF60, s6  }
0x6: {  	_ =	strace $0x80000047;
	s9 =	sshrl.u32 s4, $0x1;
	s6 =	smul.u32 $0x4E2, s6  }
0x7: {  	s31 =	ssub.s32 s4, s9;
	s9 =	simm.s32 $0x0;
	s7 =	sshrl.u32 s7, $0x3  }
0x8: {  	p0 =	slt.s32 s8, $0xFFFFED18;
	s4 =	sadd.s32 s5, s6;
	s5 =	smax.u32 s31, $0x1  }
0x9: {  	s3 =	sadd.s32 s3, s7;
	s8 =	simm.s32 @!p0 $0xFFFFED18;
	s7 =	simm.s32 $0x1  }
0xa: {  	v0 =	vimm.f32 $0.0e+00;
	v1 =	vimm.f32 $1.000000000e+00;
	s3 =	sadd.s32 $0x15600, s3;
	s6 =	sadd.s32 $0x1387, s8;
	s8 =	simm.s32 $0x5000  }
.LBB2_1:
0xb: {  	s10 =	simm.s32 $0x40;
	s11 =	simm.s32 $0x0  }
.LBB2_2:
0xc: {  	p0 =	sne.s32 s10, $0x9C00;
	[tilespmem:s11+$0x5000] =	vst v0;
	s11 =	smov.u32 s10;
	s10 =	sadd.s32 $0x40, s10  }
.Ltmp0:
0xd: {  	(pc) =	sbr.rel @p0 .LBB2_2-.Ltmp0, $2  }
0xe: {  	_ =	sdelay $0x2  }
0xf: {  	s11 =	sshra.s32 s11, $0x2  }
0x10: {  	[tilespmem:s11+$0x5000] =	vst v0  }
0x11: {  	[tilespmem:s2], [sflag:$0x1] =	stream.linear.gather [hbm4b:s3+s2], $0x5000, $0x38;
	[tilespmem:$0x7780] =	vst v63  }
0x12: {  	_ =	swait.ge [sflag:s7], $0x5000  }
0x13: {  	[sflag:s7] =	ssyncset.done $0x0  }
0x14: {  	s10 =	simm.s32 $0xFFFFFFFF;
	s11 =	simm.s32 $0x20;
	[sflag:s7] =	ssyncadd.s32 $0xFFFFB000  }
.LBB2_4:
0x15: {  	v2 =	vld [tilespmem:s11+$0xFFFFFFE0];
	_ =	sdelay $0x7  }
0x16: {  	[tilespmem:v2+s8+$0x0] =	vst.idx.add.f32.msk $0xffff, v1  }
0x17: {  	v2 =	vld [tilespmem:s11+$0xFFFFFFF0];
	_ =	sdelay $0x7  }
0x18: {  	[tilespmem:v2+s8+$0x0] =	vst.idx.add.f32.msk $0xffff, v1  }
0x19: {  	v2 =	vld [tilespmem:s11+$0x0];
	_ =	sdelay $0x7  }
0x1a: {  	[tilespmem:v2+s8+$0x0] =	vst.idx.add.f32.msk $0xffff, v1  }
0x1b: {  	v2 =	vld [tilespmem:s11+$0x10];
	_ =	sdelay $0x1  }
0x1c: {  	s10 =	sadd.s32 $0x1, s10  }
0x1d: {  	p0 =	slt.u32 s10, s6  }
.Ltmp1:
0x1e: {  	_ = 	snop;
	(pc) =	sbr.rel @p0 .LBB2_4-.Ltmp1, $2  }
0x1f: {  	_ =	sdelay $0x2  }
0x20: {  	s11 =	sadd.s32 $0x80, s11;
	[tilespmem:v2+s8+$0x0] =	vst.idx.add.f32.msk $0xffff, v1  }
0x21: {  	s9 =	sadd.s32 $0x1, s9  }
0x22: {  	p0 =	sne.s32 s9, s5  }
.Ltmp2:
0x23: {  	_ = 	snop;
	(pc) =	sbr.rel @p0 .LBB2_1-.Ltmp2, $4  }
0x24: {  	[hbm4b:s4+s2] =	stream.linear.scatter [tilespmem:s8], [sflag:$0x1], $0x2710, $0x38;
	[tilespmem:$0x7780] =	vst v63  }
0x25: {  	_ =	swait.ge [sflag:s7], $0x2710  }
0x26: {  	[sflag:s7] =	ssyncset.done $0x0  }
0x27: {  	[sflag:s7] =	ssyncadd.s32 $0xFFFFD8F0  }
0x28: {  	_ =	sfence.sel $0x180000  }
0x29: {  	[bflag:$0x0] =	sbarrier.arrive $0xFFFF  }
0x2a: {  	p0 =	sne.s32 s0, $0x0;
	_ =	strace $0x90000047  }
0x2b: {  	s0 =	sadd.s32 @!p0 $0x100000, s1;
	[bflag:$0x2] =	sbarrier.arrive $0xFFFF  }
0x2c: {  	[sflag:s0] =	ssyncadd.tile.s32 @!p0 $0x1;
	_ =	shalt  }
.Lfunc_end2:
_tile_overlayer_lowered:
.L_overlay_start_2:
0x2d: {  	(tag) =	ssettag $0x2  }
0x2e: {  	s0 =	rddreg [dreg:$0x0];
	s2 =	stileid.u32  }
0x2f: {  	s1 =	rddreg [dreg:$0x1];
	p0 =	sne.s32 s2, $0x0  }
0x30: {  	s3 =	rddreg [dreg:$0x2];
	[bflag:$0x3] =	sbarrier.arrive $0xFFFF;
	s2 =	simm.s32 @!p0 $0x1C01  }
0x31: {  	[timem:s3], [sflag:s2] =	dma.local @!p0 [hbm:s0], s1  }
0x32: {  	s0 =	simm.s32 @!p0 $0x1  }
0x33: {  	_ =	swait.ge @!p0 [sflag:s0], s1  }
0x34: {  	s1 =	ssub.s32 @!p0 $0x0, s1;
	[sflag:s0] =	ssyncset.done @!p0 $0x0  }
0x35: {  	[sflag:s0] =	ssyncadd.s32 @!p0 s1  }
0x36: {  	[bflag:$0x3] =	sbarrier.arrive $0xFFFF  }
0x37: {  	_ =	shalt  }

</sc_bundles>
